<compile_context>
chip_gen: v7x
topology: tpu7x:2x2x1
jax: 0.10.2.dev20260603
libtpu: 0.0.44.dev20260713+nightly
codegen_flags: <defaults>
</compile_context>

<pallas_src>
import functools

import jax
import jax.numpy as jnp
from jax import lax
from jax.experimental import pallas as pl
from jax.experimental.pallas import tpu as pltpu
from jax.experimental.pallas import tpu_sc as plsc

D = 1024
NH = 16
HD = 64
BATCH = 4
S = 2048
K_SEL = max(1, int(S * 0.1))
K_PAD = 256
QB = 256
NQ = S // QB
NEG = -1e30
L = 16
NSLICE = S // L



def _gate_body(x_ref, g1_ref, g1b_ref, g2_ref, g2b_ref, imp_ref):
    f32 = jnp.float32
    xb = x_ref[0]
    hgt = lax.dot_general(g1_ref[...], xb, (((1,), (1,)), ((), ())),
                          preferred_element_type=f32)
    hgt = jnp.maximum(hgt + g1b_ref[...], 0.0)
    logit = lax.dot_general(g2_ref[...], hgt, (((1,), (0,)), ((), ())),
                            preferred_element_type=f32)
    logit = logit + g2b_ref[0, 0]
    imp = 1.0 / (1.0 + jnp.exp(-logit))
    imp_ref[0] = lax.bitcast_convert_type(imp, jnp.int32)


def _gate(x, g1_w, g1b, g2_w, g2b):
    return pl.pallas_call(
        _gate_body,
        grid=(BATCH,),
        in_specs=[
            pl.BlockSpec((1, S, D), lambda b: (b, 0, 0)),
            pl.BlockSpec((D // 4, D), lambda b: (0, 0)),
            pl.BlockSpec((D // 4, 1), lambda b: (0, 0)),
            pl.BlockSpec((1, D // 4), lambda b: (0, 0)),
            pl.BlockSpec((1, 1), lambda b: (0, 0)),
        ],
        out_specs=pl.BlockSpec((1, 1, S), lambda b: (b, 0, 0)),
        out_shape=jax.ShapeDtypeStruct((BATCH, 1, S), jnp.int32),
    )(x, g1_w, g1b, g2_w, g2b)



def _sc_select(impbits):
    mesh = plsc.VectorSubcoreMesh(core_axis_name="c", subcore_axis_name="s",
                                  num_cores=2, num_subcores=16)

    @functools.partial(
        pl.kernel, mesh=mesh,
        out_type=jax.ShapeDtypeStruct((BATCH, 2, L), jnp.int32),
        scratch_types=[
            pltpu.VMEM((S,), jnp.int32),
            pltpu.VMEM((2 * L,), jnp.int32),
            pltpu.VMEM((2, L), jnp.int32),
        ],
    )
    def sel_kernel(imp_hbm, tr_hbm, imp_v, red_v, tr_v):
        wid = lax.axis_index("s") * 2 + lax.axis_index("c")

        @pl.when(wid < BATCH)
        def _():
            pltpu.sync_copy(imp_hbm.at[wid], imp_v)
            zeros = jnp.zeros((L,), jnp.int32)
            ones = jnp.ones((L,), jnp.int32)
            ksel = jnp.full((L,), K_SEL, jnp.int32)

            def lane_total(acc):
                red_v[pl.ds(0, L)] = acc
                red_v[pl.ds(L, L)] = acc
                for sft in (8, 4, 2, 1):
                    c = red_v[pl.ds(0, L)] + red_v[pl.ds(sft, L)]
                    red_v[pl.ds(0, L)] = c
                    red_v[pl.ds(L, L)] = c
                return red_v[pl.ds(0, L)]

            def count_ge(mid):
                def cbody(j, acc):
                    v = imp_v[pl.ds(j * L, L)]
                    return acc + jnp.where(v >= mid, ones, zeros)
                acc = lax.fori_loop(0, NSLICE, cbody, zeros)
                return lane_total(acc)

            def bs(_, carry):
                lo, hi = carry
                mid = (lo + hi) >> 1
                take = count_ge(mid) >= ksel
                return (jnp.where(take, mid, lo), jnp.where(take, hi, mid))

            t, _unused = lax.fori_loop(
                0, 31, bs, (zeros, jnp.full((L,), 0x3F800001, jnp.int32)))

            def cgt(j, acc):
                v = imp_v[pl.ds(j * L, L)]
                return acc + jnp.where(v > t, ones, zeros)
            n_gt = lane_total(lax.fori_loop(0, NSLICE, cgt, zeros))

            tr_v[0] = t
            tr_v[1] = ksel - n_gt
            pltpu.sync_copy(tr_v, tr_hbm.at[wid])

    return sel_kernel(impbits)



def _cumsum_lanes(a, n):
    sh = 1
    while sh < n:
        shifted = jnp.concatenate(
            [jnp.zeros((1, sh), jnp.int32), a[:, : n - sh]], axis=1)
        a = a + shifted
        sh *= 2
    return a


def _attn_body(x_ref, xq_ref, bits_ref, tr_ref, wqkv_ref, bqkv_ref,
               wo_ref, bo_ref, out_ref, ksel_ref, vsel_ref):
    qi = pl.program_id(1)
    f32 = jnp.float32

    @pl.when(qi == 0)
    def _phase_a():
        xb = x_ref[0]
        bits = bits_ref[0]
        t = tr_ref[0, 0, 0]
        r = tr_ref[0, 1, 0]
        gt = bits > t
        tie = bits == t
        tie_rank = _cumsum_lanes(tie.astype(jnp.int32), S)
        sel = gt | (tie & (tie_rank <= r))
        selr = _cumsum_lanes(sel.astype(jnp.int32), S) - 1
        selr = jnp.where(sel, selr, -1)

        rows = lax.broadcasted_iota(jnp.int32, (K_PAD, S), 0)
        p = (rows == selr).astype(f32)
        x_sel = lax.dot_general(p, xb, (((1,), (0,)), ((), ())),
                                preferred_element_type=f32)
        wk = wqkv_ref[D:2 * D, :]
        wv = wqkv_ref[2 * D:3 * D, :]
        ksel_ref[...] = lax.dot_general(
            x_sel, wk, (((1,), (1,)), ((), ())),
            preferred_element_type=f32) + bqkv_ref[1:2, :]
        vsel_ref[...] = lax.dot_general(
            x_sel, wv, (((1,), (1,)), ((), ())),
            preferred_element_type=f32) + bqkv_ref[2:3, :]

    xq = xq_ref[0]
    wq = wqkv_ref[0:D, :]
    q = lax.dot_general(xq, wq, (((1,), (1,)), ((), ())),
                        preferred_element_type=f32) + bqkv_ref[0:1, :]
    ksel = ksel_ref[...]
    vsel = vsel_ref[...]
    col = lax.broadcasted_iota(jnp.int32, (QB, K_PAD), 1)
    pad_bias = jnp.where(col < K_SEL, 0.0, NEG)

    outs = []
    for h in range(NH):
        sl = slice(h * HD, (h + 1) * HD)
        s = lax.dot_general(q[:, sl], ksel[:, sl], (((1,), (1,)), ((), ())),
                            preferred_element_type=f32)
        s = s * (1.0 / (HD ** 0.5)) + pad_bias
        m = jnp.max(s, axis=1, keepdims=True)
        e = jnp.exp(s - m)
        l = jnp.sum(e, axis=1, keepdims=True)
        oh = lax.dot_general(e, vsel[:, sl], (((1,), (0,)), ((), ())),
                             preferred_element_type=f32) / l
        outs.append(oh)
    o = jnp.concatenate(outs, axis=1)
    res = lax.dot_general(o, wo_ref[...], (((1,), (1,)), ((), ())),
                          preferred_element_type=f32) + bo_ref[...]
    out_ref[0] = res


def _attn(x, bits3, tr, in_proj_w, bqkv, out_proj_w, bo):
    return pl.pallas_call(
        _attn_body,
        grid=(BATCH, NQ),
        in_specs=[
            pl.BlockSpec((1, S, D), lambda b, q: (b, 0, 0)),
            pl.BlockSpec((1, QB, D), lambda b, q: (b, q, 0)),
            pl.BlockSpec((1, 1, S), lambda b, q: (b, 0, 0)),
            pl.BlockSpec((1, 2, L), lambda b, q: (b, 0, 0)),
            pl.BlockSpec((3 * D, D), lambda b, q: (0, 0)),
            pl.BlockSpec((3, D), lambda b, q: (0, 0)),
            pl.BlockSpec((D, D), lambda b, q: (0, 0)),
            pl.BlockSpec((1, D), lambda b, q: (0, 0)),
        ],
        out_specs=pl.BlockSpec((1, QB, D), lambda b, q: (b, q, 0)),
        out_shape=jax.ShapeDtypeStruct((BATCH, S, D), jnp.float32),
        scratch_shapes=[
            pltpu.VMEM((K_PAD, D), jnp.float32),
            pltpu.VMEM((K_PAD, D), jnp.float32),
        ],
        compiler_params=pltpu.CompilerParams(
            dimension_semantics=("arbitrary", "arbitrary")),
    )(x, x, bits3, tr, in_proj_w, bqkv, out_proj_w, bo)


@jax.jit
def kernel(x, in_proj_w, in_proj_b, out_proj_w, out_proj_b,
           g1_w, g1_b, g2_w, g2_b):
    bqkv = in_proj_b.reshape(3, D)
    bo = out_proj_b.reshape(1, D)
    g1b = g1_b.reshape(D // 4, 1)
    g2b = g2_b.reshape(1, 1)

    bits = _gate(x, g1_w, g1b, g2_w, g2b)
    tr = _sc_select(bits.reshape(BATCH, S))
    return _attn(x, bits, tr, in_proj_w, bqkv, out_proj_w, bo)

# --- scband reference (transcript-rebuilt; emitter-appended) ---
"""Pipeline reference for scband-sparse-attention-module-82549271429743 (READ-ONLY COPY).

The authoritative reference and input builder live on the scoring server;
editing this copy changes nothing except your own understanding.
"""

import jax, jax.numpy as jnp
import numpy as np

D_MODEL = 1024
N_HEADS = 16
SPARSITY = 0.1
B, S = 4, 2048


def setup_inputs(seed: int = 0) -> dict:
    key = jax.random.key(seed)
    ks = jax.random.split(key, 8)
    d = D_MODEL
    scale = 1.0 / np.sqrt(d)
    x = jax.random.normal(ks[0], (B, S, d), dtype=jnp.float32)
    in_proj_w = jax.random.normal(ks[1], (3 * d, d), dtype=jnp.float32) * scale
    in_proj_b = jnp.zeros((3 * d,), dtype=jnp.float32)
    out_proj_w = jax.random.normal(ks[2], (d, d), dtype=jnp.float32) * scale
    out_proj_b = jnp.zeros((d,), dtype=jnp.float32)
    g1_w = jax.random.normal(ks[3], (d // 4, d), dtype=jnp.float32) * scale
    g1_b = jnp.zeros((d // 4,), dtype=jnp.float32)
    g2_w = jax.random.normal(ks[4], (1, d // 4), dtype=jnp.float32) * (1.0 / np.sqrt(d // 4))
    g2_b = jnp.zeros((1,), dtype=jnp.float32)
    return {"x": x, "in_proj_w": in_proj_w, "in_proj_b": in_proj_b,
            "out_proj_w": out_proj_w, "out_proj_b": out_proj_b,
            "g1_w": g1_w, "g1_b": g1_b, "g2_w": g2_w, "g2_b": g2_b}


def reference(x, in_proj_w, in_proj_b, out_proj_w, out_proj_b, g1_w, g1_b, g2_w, g2_b):
    b, s, d = x.shape
    h = N_HEADS
    hd = d // h
    # --- adaptive sparse mask (sparsity gate + topk + scatter) ---
    hgate = jax.nn.relu(jnp.dot(x, g1_w.T) + g1_b)
    imp = jax.nn.sigmoid(jnp.dot(hgate, g2_w.T) + g2_b)[..., 0]  # [b, s]
    k = max(1, int(s * SPARSITY))
    _, top_idx = jax.lax.top_k(imp, k)  # [b, k]
    mask = jnp.zeros((b, s), dtype=bool).at[jnp.arange(b)[:, None], top_idx].set(True)
    # --- multi-head attention with key_padding_mask = ~mask (eval mode, no dropout) ---
    qkv = jnp.dot(x, in_proj_w.T) + in_proj_b
    q, kk, v = jnp.split(qkv, 3, axis=-1)
    def to_heads(t):
        return t.reshape(b, s, h, hd).transpose(0, 2, 1, 3)
    q, kk, v = to_heads(q), to_heads(kk), to_heads(v)
    scores = jnp.matmul(q, kk.transpose(0, 1, 3, 2)) / np.sqrt(hd)  # [b, h, s, s]
    scores = jnp.where(mask[:, None, None, :], scores, -jnp.inf)
    attn = jax.nn.softmax(scores, axis=-1)
    out = jnp.matmul(attn, v)  # [b, h, s, hd]
    out = out.transpose(0, 2, 1, 3).reshape(b, s, d)
    return jnp.dot(out, out_proj_w.T) + out_proj_b

if __name__ == "__main__":
    import jax
    _d = setup_inputs()
    print(jax.jit(kernel)(*tuple(_d.values())))

</pallas_src>

<mosaic_0001>
#map = affine_map<(d0, d1) -> (0, 0)>
#map1 = affine_map<(d0, d1) -> (0, 0, 0)>
module attributes {stable_mosaic.version = 14 : i64} {
  func.func @sel_kernel(%arg0: i32, %arg1: i32, %arg2: memref<4x2048xi32, #tpu.memory_space<hbm>>, %arg3: memref<4x2x16xi32, #tpu.memory_space<hbm>>, %arg4: memref<2048xi32, #tpu.memory_space<vmem>>, %arg5: memref<32xi32, #tpu.memory_space<vmem>>, %arg6: memref<2x16xi32, #tpu.memory_space<vmem>>) attributes {dimension_semantics = [#tpu.dimension_semantics<core_parallel>, #tpu.dimension_semantics<subcore_parallel>], iteration_bounds = array<i64: 2, 16>, scalar_prefetch = 0 : i64, scratch_operands = 3 : i64, tpu.core_type = #tpu.core_type<sc_vector_subcore>, window_params = [{transform_indices = #map}, {transform_indices = #map1}]} {
    %mul3A = arith.constant 2 : i32
    %mul3A_0 = arith.muli %arg1, %mul3A : i32
    %add3A = arith.addi %mul3A_0, %arg0 : i32
    %lt3A = arith.constant 4 : i32
    %lt3A_1 = arith.cmpi slt, %add3A, %lt3A : i32
    %convert_element_type3A = arith.extui %lt3A_1 : i1 to i32
    %cond3A = arith.constant 0 : i32
    %cond3A_2 = arith.cmpi ne, %convert_element_type3A, %cond3A : i32
    scf.if %cond3A_2 {
      "tpu.region"() ({
        %run_scoped3A = tpu.sem_alloc : memref<!tpu.dma_semaphore, #tpu.memory_space<semaphore_mem>>
        %dma_start3A = arith.constant 0 : i32
        %dma_start3A_102 = tpu.memref_slice %arg2[%add3A, %dma_start3A] : memref<4x2048xi32, #tpu.memory_space<hbm>> -> memref<1x2048xi32, #tpu.memory_space<hbm>>
        %dma_start3A_103 = tpu.memref_squeeze %dma_start3A_102 : memref<1x2048xi32, #tpu.memory_space<hbm>> -> memref<2048xi32, #tpu.memory_space<hbm>>
        %dma_start3A_104 = arith.constant 0 : i32
        %dma_start3A_105 = tpu.memref_slice %arg2[%add3A, %dma_start3A_104] : memref<4x2048xi32, #tpu.memory_space<hbm>> -> memref<1x2048xi32, #tpu.memory_space<hbm>>
        %dma_start3A_106 = tpu.memref_squeeze %dma_start3A_105 : memref<1x2048xi32, #tpu.memory_space<hbm>> -> memref<2048xi32, #tpu.memory_space<hbm>>
        tpu.enqueue_dma source(%dma_start3A_106 : memref<2048xi32, #tpu.memory_space<hbm>>) target(%arg4 : memref<2048xi32, #tpu.memory_space<vmem>>) target_semaphore(%run_scoped3A : memref<!tpu.dma_semaphore, #tpu.memory_space<semaphore_mem>>)
        %dma_wait3A = arith.constant 0 : i32
        %dma_wait3A_107 = tpu.memref_slice %arg2[%add3A, %dma_wait3A] : memref<4x2048xi32, #tpu.memory_space<hbm>> -> memref<1x2048xi32, #tpu.memory_space<hbm>>
        %dma_wait3A_108 = tpu.memref_squeeze %dma_wait3A_107 : memref<1x2048xi32, #tpu.memory_space<hbm>> -> memref<2048xi32, #tpu.memory_space<hbm>>
        %dma_wait3A_109 = arith.constant 0 : i32
        %dma_wait3A_110 = tpu.memref_slice %arg2[%add3A, %dma_wait3A_109] : memref<4x2048xi32, #tpu.memory_space<hbm>> -> memref<1x2048xi32, #tpu.memory_space<hbm>>
        %dma_wait3A_111 = tpu.memref_squeeze %dma_wait3A_110 : memref<1x2048xi32, #tpu.memory_space<hbm>> -> memref<2048xi32, #tpu.memory_space<hbm>>
        tpu.wait_dma2 semaphore(%run_scoped3A : memref<!tpu.dma_semaphore, #tpu.memory_space<semaphore_mem>>) src(%dma_wait3A_111 : memref<2048xi32, #tpu.memory_space<hbm>>) dst(%arg4 : memref<2048xi32, #tpu.memory_space<vmem>>)
        tpu.yield
      }) : () -> ()
      %broadcast_in_dim3A = arith.constant 0 : i32
      %broadcast_in_dim3A_3 = vector.broadcast %broadcast_in_dim3A : i32 to vector<16xi32>
      %broadcast_in_dim3A_4 = arith.constant 1 : i32
      %broadcast_in_dim3A_5 = vector.broadcast %broadcast_in_dim3A_4 : i32 to vector<16xi32>
      %broadcast_in_dim3A_6 = arith.constant 204 : i32
      %broadcast_in_dim3A_7 = vector.broadcast %broadcast_in_dim3A_6 : i32 to vector<16xi32>
      %broadcast_in_dim3A_8 = arith.constant 1065353217 : i32
      %broadcast_in_dim3A_9 = vector.broadcast %broadcast_in_dim3A_8 : i32 to vector<16xi32>
      %scan3A = arith.constant 0 : i32
      %scan3A_10 = arith.constant 31 : i32
      %scan3A_11 = arith.addi %scan3A, %scan3A_10 : i32
      %scan3A_12 = arith.constant 1 : i32
      %scan3A_13:2 = scf.for %scan3A_102 = %scan3A to %scan3A_11 step %scan3A_12 iter_args(%scan3A_103 = %broadcast_in_dim3A_3, %scan3A_104 = %broadcast_in_dim3A_9) -> (vector<16xi32>, vector<16xi32>)  : i32 {
        %add3A_105 = arith.addi %scan3A_103, %scan3A_104 : vector<16xi32>
        %shift_right_arithmetic3A = arith.constant 1 : i32
        %shift_right_arithmetic3A_106 = vector.broadcast %shift_right_arithmetic3A : i32 to vector<16xi32>
        %shift_right_arithmetic3A_107 = arith.shrsi %add3A_105, %shift_right_arithmetic3A_106 : vector<16xi32>
        %scan3A_108 = arith.constant 0 : i32
        %scan3A_109 = arith.constant 128 : i32
        %scan3A_110 = arith.addi %scan3A_108, %scan3A_109 : i32
        %scan3A_111 = arith.constant 1 : i32
        %scan3A_112 = scf.for %scan3A_186 = %scan3A_108 to %scan3A_110 step %scan3A_111 iter_args(%scan3A_187 = %broadcast_in_dim3A_3) -> (vector<16xi32>)  : i32 {
          %mul3A_188 = arith.constant 16 : i32
          %mul3A_189 = arith.muli %scan3A_186, %mul3A_188 : i32
          %get3A_190 = arith.index_cast %mul3A_189 : i32 to index
          %get3A_191 = tpu.vector_load %arg4[%get3A_190] {strides = array<i32>} : memref<2048xi32, #tpu.memory_space<vmem>>, vector<16xi32>,
          %get3A_192 = vector.shape_cast %get3A_191 : vector<16xi32> to vector<16xi32>
          %ge3A_193 = arith.cmpi sge, %get3A_192, %shift_right_arithmetic3A_107 : vector<16xi32>
          %select_n3A_194 = arith.select %ge3A_193, %broadcast_in_dim3A_5, %broadcast_in_dim3A_3 : vector<16xi1>, vector<16xi32>
          %add3A_195 = arith.addi %scan3A_187, %select_n3A_194 : vector<16xi32>
          scf.yield %add3A_195 : vector<16xi32>
        }
        %scan3A_113 = arith.constant 128 : i32
        %swap3A_114 = arith.constant 0 : index
        %swap3A_115 = tpu.vector_load %arg5[%swap3A_114] {strides = array<i32>} : memref<32xi32, #tpu.memory_space<vmem>>, vector<16xi32>,
        %swap3A_116 = vector.shape_cast %swap3A_115 : vector<16xi32> to vector<16xi32>
        %swap3A_117 = vector.shape_cast %scan3A_112 : vector<16xi32> to vector<16xi32>
        tpu.vector_store %arg5[%swap3A_114], %swap3A_117 {strides = array<i32>} : memref<32xi32, #tpu.memory_space<vmem>>, vector<16xi32>,
        %swap3A_118 = arith.constant 16 : index
        %swap3A_119 = tpu.vector_load %arg5[%swap3A_118] {strides = array<i32>} : memref<32xi32, #tpu.memory_space<vmem>>, vector<16xi32>,
        %swap3A_120 = vector.shape_cast %swap3A_119 : vector<16xi32> to vector<16xi32>
        %swap3A_121 = vector.shape_cast %scan3A_112 : vector<16xi32> to vector<16xi32>
        tpu.vector_store %arg5[%swap3A_118], %swap3A_121 {strides = array<i32>} : memref<32xi32, #tpu.memory_space<vmem>>, vector<16xi32>,
        %get3A_122 = arith.constant 0 : index
        %get3A_123 = tpu.vector_load %arg5[%get3A_122] {strides = array<i32>} : memref<32xi32, #tpu.memory_space<vmem>>, vector<16xi32>,
        %get3A_124 = vector.shape_cast %get3A_123 : vector<16xi32> to vector<16xi32>
        %get3A_125 = arith.constant 8 : index
        %get3A_126 = tpu.vector_load %arg5[%get3A_125] {strides = array<i32>} : memref<32xi32, #tpu.memory_space<vmem>>, vector<16xi32>,
        %get3A_127 = vector.shape_cast %get3A_126 : vector<16xi32> to vector<16xi32>
        %add3A_128 = arith.addi %get3A_124, %get3A_127 : vector<16xi32>
        %swap3A_129 = arith.constant 0 : index
        %swap3A_130 = tpu.vector_load %arg5[%swap3A_129] {strides = array<i32>} : memref<32xi32, #tpu.memory_space<vmem>>, vector<16xi32>,
        %swap3A_131 = vector.shape_cast %swap3A_130 : vector<16xi32> to vector<16xi32>
        %swap3A_132 = vector.shape_cast %add3A_128 : vector<16xi32> to vector<16xi32>
        tpu.vector_store %arg5[%swap3A_129], %swap3A_132 {strides = array<i32>} : memref<32xi32, #tpu.memory_space<vmem>>, vector<16xi32>,
        %swap3A_133 = arith.constant 16 : index
        %swap3A_134 = tpu.vector_load %arg5[%swap3A_133] {strides = array<i32>} : memref<32xi32, #tpu.memory_space<vmem>>, vector<16xi32>,
        %swap3A_135 = vector.shape_cast %swap3A_134 : vector<16xi32> to vector<16xi32>
        %swap3A_136 = vector.shape_cast %add3A_128 : vector<16xi32> to vector<16xi32>
        tpu.vector_store %arg5[%swap3A_133], %swap3A_136 {strides = array<i32>} : memref<32xi32, #tpu.memory_space<vmem>>, vector<16xi32>,
        %get3A_137 = arith.constant 0 : index
        %get3A_138 = tpu.vector_load %arg5[%get3A_137] {strides = array<i32>} : memref<32xi32, #tpu.memory_space<vmem>>, vector<16xi32>,
        %get3A_139 = vector.shape_cast %get3A_138 : vector<16xi32> to vector<16xi32>
        %get3A_140 = arith.constant 4 : index
        %get3A_141 = tpu.vector_load %arg5[%get3A_140] {strides = array<i32>} : memref<32xi32, #tpu.memory_space<vmem>>, vector<16xi32>,
        %get3A_142 = vector.shape_cast %get3A_141 : vector<16xi32> to vector<16xi32>
        %add3A_143 = arith.addi %get3A_139, %get3A_142 : vector<16xi32>
        %swap3A_144 = arith.constant 0 : index
        %swap3A_145 = tpu.vector_load %arg5[%swap3A_144] {strides = array<i32>} : memref<32xi32, #tpu.memory_space<vmem>>, vector<16xi32>,
        %swap3A_146 = vector.shape_cast %swap3A_145 : vector<16xi32> to vector<16xi32>
        %swap3A_147 = vector.shape_cast %add3A_143 : vector<16xi32> to vector<16xi32>
        tpu.vector_store %arg5[%swap3A_144], %swap3A_147 {strides = array<i32>} : memref<32xi32, #tpu.memory_space<vmem>>, vector<16xi32>,
        %swap3A_148 = arith.constant 16 : index
        %swap3A_149 = tpu.vector_load %arg5[%swap3A_148] {strides = array<i32>} : memref<32xi32, #tpu.memory_space<vmem>>, vector<16xi32>,
        %swap3A_150 = vector.shape_cast %swap3A_149 : vector<16xi32> to vector<16xi32>
        %swap3A_151 = vector.shape_cast %add3A_143 : vector<16xi32> to vector<16xi32>
        tpu.vector_store %arg5[%swap3A_148], %swap3A_151 {strides = array<i32>} : memref<32xi32, #tpu.memory_space<vmem>>, vector<16xi32>,
        %get3A_152 = arith.constant 0 : index
        %get3A_153 = tpu.vector_load %arg5[%get3A_152] {strides = array<i32>} : memref<32xi32, #tpu.memory_space<vmem>>, vector<16xi32>,
        %get3A_154 = vector.shape_cast %get3A_153 : vector<16xi32> to vector<16xi32>
        %get3A_155 = arith.constant 2 : index
        %get3A_156 = tpu.vector_load %arg5[%get3A_155] {strides = array<i32>} : memref<32xi32, #tpu.memory_space<vmem>>, vector<16xi32>,
        %get3A_157 = vector.shape_cast %get3A_156 : vector<16xi32> to vector<16xi32>
        %add3A_158 = arith.addi %get3A_154, %get3A_157 : vector<16xi32>
        %swap3A_159 = arith.constant 0 : index
        %swap3A_160 = tpu.vector_load %arg5[%swap3A_159] {strides = array<i32>} : memref<32xi32, #tpu.memory_space<vmem>>, vector<16xi32>,
        %swap3A_161 = vector.shape_cast %swap3A_160 : vector<16xi32> to vector<16xi32>
        %swap3A_162 = vector.shape_cast %add3A_158 : vector<16xi32> to vector<16xi32>
        tpu.vector_store %arg5[%swap3A_159], %swap3A_162 {strides = array<i32>} : memref<32xi32, #tpu.memory_space<vmem>>, vector<16xi32>,
        %swap3A_163 = arith.constant 16 : index
        %swap3A_164 = tpu.vector_load %arg5[%swap3A_163] {strides = array<i32>} : memref<32xi32, #tpu.memory_space<vmem>>, vector<16xi32>,
        %swap3A_165 = vector.shape_cast %swap3A_164 : vector<16xi32> to vector<16xi32>
        %swap3A_166 = vector.shape_cast %add3A_158 : vector<16xi32> to vector<16xi32>
        tpu.vector_store %arg5[%swap3A_163], %swap3A_166 {strides = array<i32>} : memref<32xi32, #tpu.memory_space<vmem>>, vector<16xi32>,
        %get3A_167 = arith.constant 0 : index
        %get3A_168 = tpu.vector_load %arg5[%get3A_167] {strides = array<i32>} : memref<32xi32, #tpu.memory_space<vmem>>, vector<16xi32>,
        %get3A_169 = vector.shape_cast %get3A_168 : vector<16xi32> to vector<16xi32>
        %get3A_170 = arith.constant 1 : index
        %get3A_171 = tpu.vector_load %arg5[%get3A_170] {strides = array<i32>} : memref<32xi32, #tpu.memory_space<vmem>>, vector<16xi32>,
        %get3A_172 = vector.shape_cast %get3A_171 : vector<16xi32> to vector<16xi32>
        %add3A_173 = arith.addi %get3A_169, %get3A_172 : vector<16xi32>
        %swap3A_174 = arith.constant 0 : index
        %swap3A_175 = tpu.vector_load %arg5[%swap3A_174] {strides = array<i32>} : memref<32xi32, #tpu.memory_space<vmem>>, vector<16xi32>,
        %swap3A_176 = vector.shape_cast %swap3A_175 : vector<16xi32> to vector<16xi32>
        %swap3A_177 = vector.shape_cast %add3A_173 : vector<16xi32> to vector<16xi32>
        tpu.vector_store %arg5[%swap3A_174], %swap3A_177 {strides = array<i32>} : memref<32xi32, #tpu.memory_space<vmem>>, vector<16xi32>,
        %swap3A_178 = arith.constant 16 : index
        %swap3A_179 = tpu.vector_load %arg5[%swap3A_178] {strides = array<i32>} : memref<32xi32, #tpu.memory_space<vmem>>, vector<16xi32>,
        %swap3A_180 = vector.shape_cast %swap3A_179 : vector<16xi32> to vector<16xi32>
        %swap3A_181 = vector.shape_cast %add3A_173 : vector<16xi32> to vector<16xi32>
        tpu.vector_store %arg5[%swap3A_178], %swap3A_181 {strides = array<i32>} : memref<32xi32, #tpu.memory_space<vmem>>, vector<16xi32>,
        %get3A_182 = arith.constant 0 : index
        %get3A_183 = tpu.vector_load %arg5[%get3A_182] {strides = array<i32>} : memref<32xi32, #tpu.memory_space<vmem>>, vector<16xi32>,
        %get3A_184 = vector.shape_cast %get3A_183 : vector<16xi32> to vector<16xi32>
        %ge3A = arith.cmpi sge, %get3A_184, %broadcast_in_dim3A_7 : vector<16xi32>
        %select_n3A = arith.select %ge3A, %shift_right_arithmetic3A_107, %scan3A_103 : vector<16xi1>, vector<16xi32>
        %select_n3A_185 = arith.select %ge3A, %scan3A_104, %shift_right_arithmetic3A_107 : vector<16xi1>, vector<16xi32>
        scf.yield %select_n3A, %select_n3A_185 : vector<16xi32>, vector<16xi32>
      }
      %scan3A_14 = arith.constant 31 : i32
      %scan3A_15 = arith.constant 0 : i32
      %scan3A_16 = arith.constant 128 : i32
      %scan3A_17 = arith.addi %scan3A_15, %scan3A_16 : i32
      %scan3A_18 = arith.constant 1 : i32
      %scan3A_19 = scf.for %scan3A_102 = %scan3A_15 to %scan3A_17 step %scan3A_18 iter_args(%scan3A_103 = %broadcast_in_dim3A_3) -> (vector<16xi32>)  : i32 {
        %mul3A_104 = arith.constant 16 : i32
        %mul3A_105 = arith.muli %scan3A_102, %mul3A_104 : i32
        %get3A_106 = arith.index_cast %mul3A_105 : i32 to index
        %get3A_107 = tpu.vector_load %arg4[%get3A_106] {strides = array<i32>} : memref<2048xi32, #tpu.memory_space<vmem>>, vector<16xi32>,
        %get3A_108 = vector.shape_cast %get3A_107 : vector<16xi32> to vector<16xi32>
        %gt3A = arith.cmpi sgt, %get3A_108, %scan3A_13#0 : vector<16xi32>
        %select_n3A = arith.select %gt3A, %broadcast_in_dim3A_5, %broadcast_in_dim3A_3 : vector<16xi1>, vector<16xi32>
        %add3A_109 = arith.addi %scan3A_103, %select_n3A : vector<16xi32>
        scf.yield %add3A_109 : vector<16xi32>
      }
      %scan3A_20 = arith.constant 128 : i32
      %swap3A = arith.constant 0 : index
      %swap3A_21 = tpu.vector_load %arg5[%swap3A] {strides = array<i32>} : memref<32xi32, #tpu.memory_space<vmem>>, vector<16xi32>,
      %swap3A_22 = vector.shape_cast %swap3A_21 : vector<16xi32> to vector<16xi32>
      %swap3A_23 = vector.shape_cast %scan3A_19 : vector<16xi32> to vector<16xi32>
      tpu.vector_store %arg5[%swap3A], %swap3A_23 {strides = array<i32>} : memref<32xi32, #tpu.memory_space<vmem>>, vector<16xi32>,
      %swap3A_24 = arith.constant 16 : index
      %swap3A_25 = tpu.vector_load %arg5[%swap3A_24] {strides = array<i32>} : memref<32xi32, #tpu.memory_space<vmem>>, vector<16xi32>,
      %swap3A_26 = vector.shape_cast %swap3A_25 : vector<16xi32> to vector<16xi32>
      %swap3A_27 = vector.shape_cast %scan3A_19 : vector<16xi32> to vector<16xi32>
      tpu.vector_store %arg5[%swap3A_24], %swap3A_27 {strides = array<i32>} : memref<32xi32, #tpu.memory_space<vmem>>, vector<16xi32>,
      %get3A = arith.constant 0 : index
      %get3A_28 = tpu.vector_load %arg5[%get3A] {strides = array<i32>} : memref<32xi32, #tpu.memory_space<vmem>>, vector<16xi32>,
      %get3A_29 = vector.shape_cast %get3A_28 : vector<16xi32> to vector<16xi32>
      %get3A_30 = arith.constant 8 : index
      %get3A_31 = tpu.vector_load %arg5[%get3A_30] {strides = array<i32>} : memref<32xi32, #tpu.memory_space<vmem>>, vector<16xi32>,
      %get3A_32 = vector.shape_cast %get3A_31 : vector<16xi32> to vector<16xi32>
      %add3A_33 = arith.addi %get3A_29, %get3A_32 : vector<16xi32>
      %swap3A_34 = arith.constant 0 : index
      %swap3A_35 = tpu.vector_load %arg5[%swap3A_34] {strides = array<i32>} : memref<32xi32, #tpu.memory_space<vmem>>, vector<16xi32>,
      %swap3A_36 = vector.shape_cast %swap3A_35 : vector<16xi32> to vector<16xi32>
      %swap3A_37 = vector.shape_cast %add3A_33 : vector<16xi32> to vector<16xi32>
      tpu.vector_store %arg5[%swap3A_34], %swap3A_37 {strides = array<i32>} : memref<32xi32, #tpu.memory_space<vmem>>, vector<16xi32>,
      %swap3A_38 = arith.constant 16 : index
      %swap3A_39 = tpu.vector_load %arg5[%swap3A_38] {strides = array<i32>} : memref<32xi32, #tpu.memory_space<vmem>>, vector<16xi32>,
      %swap3A_40 = vector.shape_cast %swap3A_39 : vector<16xi32> to vector<16xi32>
      %swap3A_41 = vector.shape_cast %add3A_33 : vector<16xi32> to vector<16xi32>
      tpu.vector_store %arg5[%swap3A_38], %swap3A_41 {strides = array<i32>} : memref<32xi32, #tpu.memory_space<vmem>>, vector<16xi32>,
      %get3A_42 = arith.constant 0 : index
      %get3A_43 = tpu.vector_load %arg5[%get3A_42] {strides = array<i32>} : memref<32xi32, #tpu.memory_space<vmem>>, vector<16xi32>,
      %get3A_44 = vector.shape_cast %get3A_43 : vector<16xi32> to vector<16xi32>
      %get3A_45 = arith.constant 4 : index
      %get3A_46 = tpu.vector_load %arg5[%get3A_45] {strides = array<i32>} : memref<32xi32, #tpu.memory_space<vmem>>, vector<16xi32>,
      %get3A_47 = vector.shape_cast %get3A_46 : vector<16xi32> to vector<16xi32>
      %add3A_48 = arith.addi %get3A_44, %get3A_47 : vector<16xi32>
      %swap3A_49 = arith.constant 0 : index
      %swap3A_50 = tpu.vector_load %arg5[%swap3A_49] {strides = array<i32>} : memref<32xi32, #tpu.memory_space<vmem>>, vector<16xi32>,
      %swap3A_51 = vector.shape_cast %swap3A_50 : vector<16xi32> to vector<16xi32>
      %swap3A_52 = vector.shape_cast %add3A_48 : vector<16xi32> to vector<16xi32>
      tpu.vector_store %arg5[%swap3A_49], %swap3A_52 {strides = array<i32>} : memref<32xi32, #tpu.memory_space<vmem>>, vector<16xi32>,
      %swap3A_53 = arith.constant 16 : index
      %swap3A_54 = tpu.vector_load %arg5[%swap3A_53] {strides = array<i32>} : memref<32xi32, #tpu.memory_space<vmem>>, vector<16xi32>,
      %swap3A_55 = vector.shape_cast %swap3A_54 : vector<16xi32> to vector<16xi32>
      %swap3A_56 = vector.shape_cast %add3A_48 : vector<16xi32> to vector<16xi32>
      tpu.vector_store %arg5[%swap3A_53], %swap3A_56 {strides = array<i32>} : memref<32xi32, #tpu.memory_space<vmem>>, vector<16xi32>,
      %get3A_57 = arith.constant 0 : index
      %get3A_58 = tpu.vector_load %arg5[%get3A_57] {strides = array<i32>} : memref<32xi32, #tpu.memory_space<vmem>>, vector<16xi32>,
      %get3A_59 = vector.shape_cast %get3A_58 : vector<16xi32> to vector<16xi32>
      %get3A_60 = arith.constant 2 : index
      %get3A_61 = tpu.vector_load %arg5[%get3A_60] {strides = array<i32>} : memref<32xi32, #tpu.memory_space<vmem>>, vector<16xi32>,
      %get3A_62 = vector.shape_cast %get3A_61 : vector<16xi32> to vector<16xi32>
      %add3A_63 = arith.addi %get3A_59, %get3A_62 : vector<16xi32>
      %swap3A_64 = arith.constant 0 : index
      %swap3A_65 = tpu.vector_load %arg5[%swap3A_64] {strides = array<i32>} : memref<32xi32, #tpu.memory_space<vmem>>, vector<16xi32>,
      %swap3A_66 = vector.shape_cast %swap3A_65 : vector<16xi32> to vector<16xi32>
      %swap3A_67 = vector.shape_cast %add3A_63 : vector<16xi32> to vector<16xi32>
      tpu.vector_store %arg5[%swap3A_64], %swap3A_67 {strides = array<i32>} : memref<32xi32, #tpu.memory_space<vmem>>, vector<16xi32>,
      %swap3A_68 = arith.constant 16 : index
      %swap3A_69 = tpu.vector_load %arg5[%swap3A_68] {strides = array<i32>} : memref<32xi32, #tpu.memory_space<vmem>>, vector<16xi32>,
      %swap3A_70 = vector.shape_cast %swap3A_69 : vector<16xi32> to vector<16xi32>
      %swap3A_71 = vector.shape_cast %add3A_63 : vector<16xi32> to vector<16xi32>
      tpu.vector_store %arg5[%swap3A_68], %swap3A_71 {strides = array<i32>} : memref<32xi32, #tpu.memory_space<vmem>>, vector<16xi32>,
      %get3A_72 = arith.constant 0 : index
      %get3A_73 = tpu.vector_load %arg5[%get3A_72] {strides = array<i32>} : memref<32xi32, #tpu.memory_space<vmem>>, vector<16xi32>,
      %get3A_74 = vector.shape_cast %get3A_73 : vector<16xi32> to vector<16xi32>
      %get3A_75 = arith.constant 1 : index
      %get3A_76 = tpu.vector_load %arg5[%get3A_75] {strides = array<i32>} : memref<32xi32, #tpu.memory_space<vmem>>, vector<16xi32>,
      %get3A_77 = vector.shape_cast %get3A_76 : vector<16xi32> to vector<16xi32>
      %add3A_78 = arith.addi %get3A_74, %get3A_77 : vector<16xi32>
      %swap3A_79 = arith.constant 0 : index
      %swap3A_80 = tpu.vector_load %arg5[%swap3A_79] {strides = array<i32>} : memref<32xi32, #tpu.memory_space<vmem>>, vector<16xi32>,
      %swap3A_81 = vector.shape_cast %swap3A_80 : vector<16xi32> to vector<16xi32>
      %swap3A_82 = vector.shape_cast %add3A_78 : vector<16xi32> to vector<16xi32>
      tpu.vector_store %arg5[%swap3A_79], %swap3A_82 {strides = array<i32>} : memref<32xi32, #tpu.memory_space<vmem>>, vector<16xi32>,
      %swap3A_83 = arith.constant 16 : index
      %swap3A_84 = tpu.vector_load %arg5[%swap3A_83] {strides = array<i32>} : memref<32xi32, #tpu.memory_space<vmem>>, vector<16xi32>,
      %swap3A_85 = vector.shape_cast %swap3A_84 : vector<16xi32> to vector<16xi32>
      %swap3A_86 = vector.shape_cast %add3A_78 : vector<16xi32> to vector<16xi32>
      tpu.vector_store %arg5[%swap3A_83], %swap3A_86 {strides = array<i32>} : memref<32xi32, #tpu.memory_space<vmem>>, vector<16xi32>,
      %get3A_87 = arith.constant 0 : index
      %get3A_88 = tpu.vector_load %arg5[%get3A_87] {strides = array<i32>} : memref<32xi32, #tpu.memory_space<vmem>>, vector<16xi32>,
      %get3A_89 = vector.shape_cast %get3A_88 : vector<16xi32> to vector<16xi32>
      %swap3A_90 = arith.constant 0 : i32
      %swap3A_91 = arith.index_cast %swap3A_90 : i32 to index
      %swap3A_92 = arith.constant 0 : index
      %swap3A_93 = tpu.vector_load %arg6[%swap3A_91, %swap3A_92] {strides = array<i32>} : memref<2x16xi32, #tpu.memory_space<vmem>>, vector<1x16xi32>,
      %swap3A_94 = vector.shape_cast %swap3A_93 : vector<1x16xi32> to vector<16xi32>
      %swap3A_95 = vector.shape_cast %scan3A_13#0 : vector<16xi32> to vector<1x16xi32>
      tpu.vector_store %arg6[%swap3A_91, %swap3A_92], %swap3A_95 {strides = array<i32>} : memref<2x16xi32, #tpu.memory_space<vmem>>, vector<1x16xi32>,
      %sub3A = arith.subi %broadcast_in_dim3A_7, %get3A_89 : vector<16xi32>
      %swap3A_96 = arith.constant 1 : i32
      %swap3A_97 = arith.index_cast %swap3A_96 : i32 to index
      %swap3A_98 = arith.constant 0 : index
      %swap3A_99 = tpu.vector_load %arg6[%swap3A_97, %swap3A_98] {strides = array<i32>} : memref<2x16xi32, #tpu.memory_space<vmem>>, vector<1x16xi32>,
      %swap3A_100 = vector.shape_cast %swap3A_99 : vector<1x16xi32> to vector<16xi32>
      %swap3A_101 = vector.shape_cast %sub3A : vector<16xi32> to vector<1x16xi32>
      tpu.vector_store %arg6[%swap3A_97, %swap3A_98], %swap3A_101 {strides = array<i32>} : memref<2x16xi32, #tpu.memory_space<vmem>>, vector<1x16xi32>,
      "tpu.region"() ({
        %run_scoped3A = tpu.sem_alloc : memref<!tpu.dma_semaphore, #tpu.memory_space<semaphore_mem>>
        %dma_start3A = arith.constant 0 : i32
        %dma_start3A_102 = arith.constant 0 : i32
        %dma_start3A_103 = tpu.memref_slice %arg3[%add3A, %dma_start3A, %dma_start3A_102] : memref<4x2x16xi32, #tpu.memory_space<hbm>> -> memref<1x2x16xi32, #tpu.memory_space<hbm>>
        %dma_start3A_104 = tpu.memref_squeeze %dma_start3A_103 : memref<1x2x16xi32, #tpu.memory_space<hbm>> -> memref<2x16xi32, #tpu.memory_space<hbm>>
        %dma_start3A_105 = arith.constant 0 : i32
        %dma_start3A_106 = arith.constant 0 : i32
        %dma_start3A_107 = tpu.memref_slice %arg3[%add3A, %dma_start3A_105, %dma_start3A_106] : memref<4x2x16xi32, #tpu.memory_space<hbm>> -> memref<1x2x16xi32, #tpu.memory_space<hbm>>
        %dma_start3A_108 = tpu.memref_squeeze %dma_start3A_107 : memref<1x2x16xi32, #tpu.memory_space<hbm>> -> memref<2x16xi32, #tpu.memory_space<hbm>>
        tpu.enqueue_dma source(%arg6 : memref<2x16xi32, #tpu.memory_space<vmem>>) target(%dma_start3A_108 : memref<2x16xi32, #tpu.memory_space<hbm>>) target_semaphore(%run_scoped3A : memref<!tpu.dma_semaphore, #tpu.memory_space<semaphore_mem>>)
        %dma_wait3A = arith.constant 0 : i32
        %dma_wait3A_109 = arith.constant 0 : i32
        %dma_wait3A_110 = tpu.memref_slice %arg3[%add3A, %dma_wait3A, %dma_wait3A_109] : memref<4x2x16xi32, #tpu.memory_space<hbm>> -> memref<1x2x16xi32, #tpu.memory_space<hbm>>
        %dma_wait3A_111 = tpu.memref_squeeze %dma_wait3A_110 : memref<1x2x16xi32, #tpu.memory_space<hbm>> -> memref<2x16xi32, #tpu.memory_space<hbm>>
        %dma_wait3A_112 = arith.constant 0 : i32
        %dma_wait3A_113 = arith.constant 0 : i32
        %dma_wait3A_114 = tpu.memref_slice %arg3[%add3A, %dma_wait3A_112, %dma_wait3A_113] : memref<4x2x16xi32, #tpu.memory_space<hbm>> -> memref<1x2x16xi32, #tpu.memory_space<hbm>>
        %dma_wait3A_115 = tpu.memref_squeeze %dma_wait3A_114 : memref<1x2x16xi32, #tpu.memory_space<hbm>> -> memref<2x16xi32, #tpu.memory_space<hbm>>
        tpu.wait_dma2 semaphore(%run_scoped3A : memref<!tpu.dma_semaphore, #tpu.memory_space<semaphore_mem>>) src(%arg6 : memref<2x16xi32, #tpu.memory_space<vmem>>) dst(%dma_wait3A_115 : memref<2x16xi32, #tpu.memory_space<hbm>>)
        tpu.yield
      }) : () -> ()
    } else {
    }
    return
  }
}

module attributes {stable_mosaic.version = 14 : i64} {
  func.func @_gate_body(%arg0: i32, %arg1: memref<1x2048x1024xf32, #tpu.memory_space<vmem>>, %arg2: memref<256x1024xf32, #tpu.memory_space<vmem>>, %arg3: memref<256x1xf32, #tpu.memory_space<vmem>>, %arg4: memref<1x256xf32, #tpu.memory_space<vmem>>, %arg5: memref<1x1xf32, #tpu.memory_space<vmem>>, %arg6: memref<1x1x2048xi32, #tpu.memory_space<vmem>>) attributes {dimension_semantics = [#tpu.dimension_semantics<arbitrary>], iteration_bounds = array<i64: 4>, scalar_prefetch = 0 : i64, scratch_operands = 0 : i64, tpu.core_type = #tpu.core_type<tc>, window_params = [{transform_indices = @transform_0, window_bounds = array<i64: 1, 2048, 1024>}, {pipeline_mode = #tpu.pipeline_mode<synchronous>, transform_indices = @transform_1, window_bounds = array<i64: 256, 1024>}, {pipeline_mode = #tpu.pipeline_mode<synchronous>, transform_indices = @transform_2, window_bounds = array<i64: 256, 1>}, {pipeline_mode = #tpu.pipeline_mode<synchronous>, transform_indices = @transform_3, window_bounds = array<i64: 1, 256>}, {pipeline_mode = #tpu.pipeline_mode<synchronous>, transform_indices = @transform_4, window_bounds = array<i64: 1, 1>}, {transform_indices = @transform_5, window_bounds = array<i64: 1, 1, 2048>}]} {
    %get3A = arith.constant 0 : index
    %get3A_0 = arith.constant 0 : index
    %get3A_1 = arith.constant 0 : index
    %get3A_2 = vector.load %arg1[%get3A, %get3A_0, %get3A_1] : memref<1x2048x1024xf32, #tpu.memory_space<vmem>>, vector<1x2048x1024xf32>
    %get3A_3 = vector.shape_cast %get3A_2 : vector<1x2048x1024xf32> to vector<2048x1024xf32>
    %get3A_4 = arith.constant 0 : index
    %get3A_5 = arith.constant 0 : index
    %get3A_6 = vector.load %arg2[%get3A_4, %get3A_5] : memref<256x1024xf32, #tpu.memory_space<vmem>>, vector<256x1024xf32>
    %dot_general3A = arith.constant dense<0.000000e+00> : vector<256x2048xf32>
    %dot_general3A_7 = tpu.matmul %get3A_6, %get3A_3, %dot_general3A {dimension_numbers = #tpu.dot_dimension_numbers<[1], [1], [0], [0], [0, 0, 1, 0], [], []>, transpose_lhs_hint = false} : vector<256x1024xf32>, vector<2048x1024xf32>, vector<256x2048xf32> -> vector<256x2048xf32>
    %get3A_8 = arith.constant 0 : index
    %get3A_9 = arith.constant 0 : index
    %get3A_10 = vector.load %arg3[%get3A_8, %get3A_9] : memref<256x1xf32, #tpu.memory_space<vmem>>, vector<256x1xf32>
    %add3A = vector.broadcast %get3A_10 : vector<256x1xf32> to vector<256x2048xf32>
    %add3A_11 = arith.addf %dot_general3A_7, %add3A : vector<256x2048xf32>
    %max3A = arith.constant 0.000000e+00 : f32
    %max3A_12 = vector.broadcast %max3A : f32 to vector<256x2048xf32>
    %max3A_13 = arith.maximumf %add3A_11, %max3A_12 : vector<256x2048xf32>
    %get3A_14 = arith.constant 0 : index
    %get3A_15 = arith.constant 0 : index
    %get3A_16 = vector.load %arg4[%get3A_14, %get3A_15] : memref<1x256xf32, #tpu.memory_space<vmem>>, vector<1x256xf32>
    %dot_general3A_17 = arith.constant dense<0.000000e+00> : vector<1x2048xf32>
    %dot_general3A_18 = tpu.matmul %get3A_16, %max3A_13, %dot_general3A_17 {dimension_numbers = #tpu.dot_dimension_numbers<[1], [0], [0], [1], [0, 0, 1, 1], [], []>, transpose_lhs_hint = false} : vector<1x256xf32>, vector<256x2048xf32>, vector<1x2048xf32> -> vector<1x2048xf32>
    %get3A_19 = arith.constant 0 : index
    %get3A_20 = arith.constant 0 : index
    %get3A_21 = vector.load %arg5[%get3A_19, %get3A_20] : memref<1x1xf32, #tpu.memory_space<vmem>>, vector<1x1xf32>
    %get3A_22 = vector.extract %get3A_21[0, 0] : f32 from vector<1x1xf32>
    %add3A_23 = vector.broadcast %get3A_22 : f32 to vector<1x2048xf32>
    %add3A_24 = arith.addf %dot_general3A_18, %add3A_23 : vector<1x2048xf32>
    %neg3A = arith.constant 0.000000e+00 : f32
    %neg3A_25 = vector.broadcast %neg3A : f32 to vector<1x2048xf32>
    %neg3A_26 = arith.subf %neg3A_25, %add3A_24 : vector<1x2048xf32>
    %exp3A = math.exp %neg3A_26 : vector<1x2048xf32>
    %add3A_27 = arith.constant 1.000000e+00 : f32
    %add3A_28 = vector.broadcast %add3A_27 : f32 to vector<1x2048xf32>
    %add3A_29 = arith.addf %add3A_28, %exp3A : vector<1x2048xf32>
    %div3A = arith.constant 1.000000e+00 : f32
    %div3A_30 = vector.broadcast %div3A : f32 to vector<1x2048xf32>
    %div3A_31 = arith.divf %div3A_30, %add3A_29 : vector<1x2048xf32>
    %bitcast_convert_type3A = tpu.bitcast %div3A_31 : vector<1x2048xf32> -> vector<1x2048xi32>
    %swap3A = arith.constant 0 : index
    %swap3A_32 = arith.constant 0 : index
    %swap3A_33 = arith.constant 0 : index
    %swap3A_34 = vector.load %arg6[%swap3A, %swap3A_32, %swap3A_33] : memref<1x1x2048xi32, #tpu.memory_space<vmem>>, vector<1x1x2048xi32>
    %swap3A_35 = vector.shape_cast %swap3A_34 : vector<1x1x2048xi32> to vector<1x2048xi32>
    %swap3A_36 = vector.shape_cast %bitcast_convert_type3A : vector<1x2048xi32> to vector<1x1x2048xi32>
    tpu.vector_store %arg6[%swap3A, %swap3A_32, %swap3A_33], %swap3A_36 {strides = array<i32>} : memref<1x1x2048xi32, #tpu.memory_space<vmem>>, vector<1x1x2048xi32>,
    return
  }
  func.func @transform_0(%arg0: i32) -> (i32, i32, i32) {
    %c0_i32 = arith.constant 0 : i32
    %c0_i32_0 = arith.constant 0 : i32
    %c0_i32_1 = arith.constant 0 : i32
    return %arg0, %c0_i32, %c0_i32_0 : i32, i32, i32
  }
  func.func @transform_1(%arg0: i32) -> (i32, i32) {
    %c0_i32 = arith.constant 0 : i32
    %c0_i32_0 = arith.constant 0 : i32
    %c0_i32_1 = arith.constant 0 : i32
    return %c0_i32, %c0_i32_0 : i32, i32
  }
  func.func @transform_2(%arg0: i32) -> (i32, i32) {
    %c0_i32 = arith.constant 0 : i32
    %c0_i32_0 = arith.constant 0 : i32
    %c0_i32_1 = arith.constant 0 : i32
    return %c0_i32, %c0_i32_0 : i32, i32
  }
  func.func @transform_3(%arg0: i32) -> (i32, i32) {
    %c0_i32 = arith.constant 0 : i32
    %c0_i32_0 = arith.constant 0 : i32
    %c0_i32_1 = arith.constant 0 : i32
    return %c0_i32, %c0_i32_0 : i32, i32
  }
  func.func @transform_4(%arg0: i32) -> (i32, i32) {
    %c0_i32 = arith.constant 0 : i32
    %c0_i32_0 = arith.constant 0 : i32
    %c0_i32_1 = arith.constant 0 : i32
    return %c0_i32, %c0_i32_0 : i32, i32
  }
  func.func @transform_5(%arg0: i32) -> (i32, i32, i32) {
    %c0_i32 = arith.constant 0 : i32
    %c0_i32_0 = arith.constant 0 : i32
    %c0_i32_1 = arith.constant 0 : i32
    return %arg0, %c0_i32, %c0_i32_0 : i32, i32, i32
  }
}

module attributes {stable_mosaic.version = 14 : i64} {
  func.func @_attn_body(%arg0: i32, %arg1: i32, %arg2: memref<1x2048x1024xf32, #tpu.memory_space<vmem>>, %arg3: memref<1x256x1024xf32, #tpu.memory_space<vmem>>, %arg4: memref<1x1x2048xi32, #tpu.memory_space<vmem>>, %arg5: memref<1x2x16xi32, #tpu.memory_space<vmem>>, %arg6: memref<3072x1024xf32, #tpu.memory_space<vmem>>, %arg7: memref<3x1024xf32, #tpu.memory_space<vmem>>, %arg8: memref<1024x1024xf32, #tpu.memory_space<vmem>>, %arg9: memref<1x1024xf32, #tpu.memory_space<vmem>>, %arg10: memref<1x256x1024xf32, #tpu.memory_space<vmem>>, %arg11: memref<256x1024xf32, #tpu.memory_space<vmem>>, %arg12: memref<256x1024xf32, #tpu.memory_space<vmem>>) attributes {dimension_semantics = [#tpu.dimension_semantics<arbitrary>, #tpu.dimension_semantics<arbitrary>], iteration_bounds = array<i64: 4, 8>, scalar_prefetch = 0 : i64, scratch_operands = 2 : i64, tpu.core_type = #tpu.core_type<tc>, window_params = [{transform_indices = @transform_0, window_bounds = array<i64: 1, 2048, 1024>}, {transform_indices = @transform_1, window_bounds = array<i64: 1, 256, 1024>}, {transform_indices = @transform_2, window_bounds = array<i64: 1, 1, 2048>}, {transform_indices = @transform_3, window_bounds = array<i64: 1, 2, 16>}, {pipeline_mode = #tpu.pipeline_mode<synchronous>, transform_indices = @transform_4, window_bounds = array<i64: 3072, 1024>}, {pipeline_mode = #tpu.pipeline_mode<synchronous>, transform_indices = @transform_5, window_bounds = array<i64: 3, 1024>}, {pipeline_mode = #tpu.pipeline_mode<synchronous>, transform_indices = @transform_6, window_bounds = array<i64: 1024, 1024>}, {pipeline_mode = #tpu.pipeline_mode<synchronous>, transform_indices = @transform_7, window_bounds = array<i64: 1, 1024>}, {transform_indices = @transform_8, window_bounds = array<i64: 1, 256, 1024>}]} {
    %eq3A = arith.constant 0 : i32
    %eq3A_0 = arith.cmpi eq, %arg1, %eq3A : i32
    %convert_element_type3A = arith.extui %eq3A_0 : i1 to i32
    %cond3A = arith.constant 0 : i32
    %cond3A_1 = arith.cmpi ne, %convert_element_type3A, %cond3A : i32
    scf.if %cond3A_1 {
      %get3A_384 = arith.constant 0 : index
      %get3A_385 = arith.constant 0 : index
      %get3A_386 = arith.constant 0 : index
      %get3A_387 = vector.load %arg2[%get3A_384, %get3A_385, %get3A_386] : memref<1x2048x1024xf32, #tpu.memory_space<vmem>>, vector<1x2048x1024xf32>
      %get3A_388 = vector.shape_cast %get3A_387 : vector<1x2048x1024xf32> to vector<2048x1024xf32>
      %get3A_389 = arith.constant 0 : index
      %get3A_390 = arith.constant 0 : index
      %get3A_391 = arith.constant 0 : index
      %get3A_392 = vector.load %arg4[%get3A_389, %get3A_390, %get3A_391] : memref<1x1x2048xi32, #tpu.memory_space<vmem>>, vector<1x1x2048xi32>
      %get3A_393 = vector.shape_cast %get3A_392 : vector<1x1x2048xi32> to vector<1x2048xi32>
      %get3A_394 = arith.constant 0 : index
      %get3A_395 = arith.constant 0 : index
      %get3A_396 = arith.constant 0 : index
      %get3A_397 = vector.load %arg5[%get3A_394, %get3A_395, %get3A_396] : memref<1x2x16xi32, #tpu.memory_space<vmem>>, vector<1x1x1xi32>
      %get3A_398 = vector.extract %get3A_397[0, 0, 0] : i32 from vector<1x1x1xi32>
      %get3A_399 = arith.constant 0 : index
      %get3A_400 = arith.constant 1 : index
      %get3A_401 = arith.constant 0 : index
      %get3A_402 = vector.load %arg5[%get3A_399, %get3A_400, %get3A_401] : memref<1x2x16xi32, #tpu.memory_space<vmem>>, vector<1x1x1xi32>
      %get3A_403 = vector.extract %get3A_402[0, 0, 0] : i32 from vector<1x1x1xi32>
      %gt3A = vector.broadcast %get3A_398 : i32 to vector<1x2048xi32>
      %gt3A_404 = arith.cmpi sgt, %get3A_393, %gt3A : vector<1x2048xi32>
      %eq3A_405 = vector.broadcast %get3A_398 : i32 to vector<1x2048xi32>
      %eq3A_406 = arith.cmpi eq, %get3A_393, %eq3A_405 : vector<1x2048xi32>
      %convert_element_type3A_407 = arith.extui %eq3A_406 : vector<1x2048xi1> to vector<1x2048xi32>
      %broadcast_in_dim3A_408 = arith.constant 0 : i32
      %broadcast_in_dim3A_409 = vector.broadcast %broadcast_in_dim3A_408 : i32 to vector<1x1xi32>
      %slice3A_410 = vector.extract_strided_slice %convert_element_type3A_407 {offsets = [0, 0], sizes = [1, 2047], strides = [1, 1]} : vector<1x2048xi32> to vector<1x2047xi32>
      %concatenate3A_411 = tpu.concatenate %broadcast_in_dim3A_409, %slice3A_410 in 1 : vector<1x1xi32>, vector<1x2047xi32> -> vector<1x2048xi32>
      %add3A_412 = arith.addi %convert_element_type3A_407, %concatenate3A_411 : vector<1x2048xi32>
      %broadcast_in_dim3A_413 = arith.constant 0 : i32
      %broadcast_in_dim3A_414 = vector.broadcast %broadcast_in_dim3A_413 : i32 to vector<1x2xi32>
      %slice3A_415 = vector.extract_strided_slice %add3A_412 {offsets = [0, 0], sizes = [1, 2046], strides = [1, 1]} : vector<1x2048xi32> to vector<1x2046xi32>
      %concatenate3A_416 = tpu.concatenate %broadcast_in_dim3A_414, %slice3A_415 in 1 : vector<1x2xi32>, vector<1x2046xi32> -> vector<1x2048xi32>
      %add3A_417 = arith.addi %add3A_412, %concatenate3A_416 : vector<1x2048xi32>
      %broadcast_in_dim3A_418 = arith.constant 0 : i32
      %broadcast_in_dim3A_419 = vector.broadcast %broadcast_in_dim3A_418 : i32 to vector<1x4xi32>
      %slice3A_420 = vector.extract_strided_slice %add3A_417 {offsets = [0, 0], sizes = [1, 2044], strides = [1, 1]} : vector<1x2048xi32> to vector<1x2044xi32>
      %concatenate3A_421 = tpu.concatenate %broadcast_in_dim3A_419, %slice3A_420 in 1 : vector<1x4xi32>, vector<1x2044xi32> -> vector<1x2048xi32>
      %add3A_422 = arith.addi %add3A_417, %concatenate3A_421 : vector<1x2048xi32>
      %broadcast_in_dim3A_423 = arith.constant 0 : i32
      %broadcast_in_dim3A_424 = vector.broadcast %broadcast_in_dim3A_423 : i32 to vector<1x8xi32>
      %slice3A_425 = vector.extract_strided_slice %add3A_422 {offsets = [0, 0], sizes = [1, 2040], strides = [1, 1]} : vector<1x2048xi32> to vector<1x2040xi32>
      %concatenate3A_426 = tpu.concatenate %broadcast_in_dim3A_424, %slice3A_425 in 1 : vector<1x8xi32>, vector<1x2040xi32> -> vector<1x2048xi32>
      %add3A_427 = arith.addi %add3A_422, %concatenate3A_426 : vector<1x2048xi32>
      %broadcast_in_dim3A_428 = arith.constant 0 : i32
      %broadcast_in_dim3A_429 = vector.broadcast %broadcast_in_dim3A_428 : i32 to vector<1x16xi32>
      %slice3A_430 = vector.extract_strided_slice %add3A_427 {offsets = [0, 0], sizes = [1, 2032], strides = [1, 1]} : vector<1x2048xi32> to vector<1x2032xi32>
      %concatenate3A_431 = tpu.concatenate %broadcast_in_dim3A_429, %slice3A_430 in 1 : vector<1x16xi32>, vector<1x2032xi32> -> vector<1x2048xi32>
      %add3A_432 = arith.addi %add3A_427, %concatenate3A_431 : vector<1x2048xi32>
      %broadcast_in_dim3A_433 = arith.constant 0 : i32
      %broadcast_in_dim3A_434 = vector.broadcast %broadcast_in_dim3A_433 : i32 to vector<1x32xi32>
      %slice3A_435 = vector.extract_strided_slice %add3A_432 {offsets = [0, 0], sizes = [1, 2016], strides = [1, 1]} : vector<1x2048xi32> to vector<1x2016xi32>
      %concatenate3A_436 = tpu.concatenate %broadcast_in_dim3A_434, %slice3A_435 in 1 : vector<1x32xi32>, vector<1x2016xi32> -> vector<1x2048xi32>
      %add3A_437 = arith.addi %add3A_432, %concatenate3A_436 : vector<1x2048xi32>
      %broadcast_in_dim3A_438 = arith.constant 0 : i32
      %broadcast_in_dim3A_439 = vector.broadcast %broadcast_in_dim3A_438 : i32 to vector<1x64xi32>
      %slice3A_440 = vector.extract_strided_slice %add3A_437 {offsets = [0, 0], sizes = [1, 1984], strides = [1, 1]} : vector<1x2048xi32> to vector<1x1984xi32>
      %concatenate3A_441 = tpu.concatenate %broadcast_in_dim3A_439, %slice3A_440 in 1 : vector<1x64xi32>, vector<1x1984xi32> -> vector<1x2048xi32>
      %add3A_442 = arith.addi %add3A_437, %concatenate3A_441 : vector<1x2048xi32>
      %broadcast_in_dim3A_443 = arith.constant 0 : i32
      %broadcast_in_dim3A_444 = vector.broadcast %broadcast_in_dim3A_443 : i32 to vector<1x128xi32>
      %slice3A_445 = vector.extract_strided_slice %add3A_442 {offsets = [0, 0], sizes = [1, 1920], strides = [1, 1]} : vector<1x2048xi32> to vector<1x1920xi32>
      %concatenate3A_446 = tpu.concatenate %broadcast_in_dim3A_444, %slice3A_445 in 1 : vector<1x128xi32>, vector<1x1920xi32> -> vector<1x2048xi32>
      %add3A_447 = arith.addi %add3A_442, %concatenate3A_446 : vector<1x2048xi32>
      %broadcast_in_dim3A_448 = arith.constant 0 : i32
      %broadcast_in_dim3A_449 = vector.broadcast %broadcast_in_dim3A_448 : i32 to vector<1x256xi32>
      %slice3A_450 = vector.extract_strided_slice %add3A_447 {offsets = [0, 0], sizes = [1, 1792], strides = [1, 1]} : vector<1x2048xi32> to vector<1x1792xi32>
      %concatenate3A_451 = tpu.concatenate %broadcast_in_dim3A_449, %slice3A_450 in 1 : vector<1x256xi32>, vector<1x1792xi32> -> vector<1x2048xi32>
      %add3A_452 = arith.addi %add3A_447, %concatenate3A_451 : vector<1x2048xi32>
      %broadcast_in_dim3A_453 = arith.constant 0 : i32
      %broadcast_in_dim3A_454 = vector.broadcast %broadcast_in_dim3A_453 : i32 to vector<1x512xi32>
      %slice3A_455 = vector.extract_strided_slice %add3A_452 {offsets = [0, 0], sizes = [1, 1536], strides = [1, 1]} : vector<1x2048xi32> to vector<1x1536xi32>
      %concatenate3A_456 = tpu.concatenate %broadcast_in_dim3A_454, %slice3A_455 in 1 : vector<1x512xi32>, vector<1x1536xi32> -> vector<1x2048xi32>
      %add3A_457 = arith.addi %add3A_452, %concatenate3A_456 : vector<1x2048xi32>
      %broadcast_in_dim3A_458 = arith.constant 0 : i32
      %broadcast_in_dim3A_459 = vector.broadcast %broadcast_in_dim3A_458 : i32 to vector<1x1024xi32>
      %slice3A_460 = vector.extract_strided_slice %add3A_457 {offsets = [0, 0], sizes = [1, 1024], strides = [1, 1]} : vector<1x2048xi32> to vector<1x1024xi32>
      %concatenate3A_461 = tpu.concatenate %broadcast_in_dim3A_459, %slice3A_460 in 1 : vector<1x1024xi32>, vector<1x1024xi32> -> vector<1x2048xi32>
      %add3A_462 = arith.addi %add3A_457, %concatenate3A_461 : vector<1x2048xi32>
      %le3A = vector.broadcast %get3A_403 : i32 to vector<1x2048xi32>
      %le3A_463 = arith.cmpi sle, %add3A_462, %le3A : vector<1x2048xi32>
      %and3A = arith.andi %eq3A_406, %le3A_463 : vector<1x2048xi1>
      %or3A = arith.ori %gt3A_404, %and3A : vector<1x2048xi1>
      %convert_element_type3A_464 = arith.extui %or3A : vector<1x2048xi1> to vector<1x2048xi32>
      %broadcast_in_dim3A_465 = arith.constant 0 : i32
      %broadcast_in_dim3A_466 = vector.broadcast %broadcast_in_dim3A_465 : i32 to vector<1x1xi32>
      %slice3A_467 = vector.extract_strided_slice %convert_element_type3A_464 {offsets = [0, 0], sizes = [1, 2047], strides = [1, 1]} : vector<1x2048xi32> to vector<1x2047xi32>
      %concatenate3A_468 = tpu.concatenate %broadcast_in_dim3A_466, %slice3A_467 in 1 : vector<1x1xi32>, vector<1x2047xi32> -> vector<1x2048xi32>
      %add3A_469 = arith.addi %convert_element_type3A_464, %concatenate3A_468 : vector<1x2048xi32>
      %broadcast_in_dim3A_470 = arith.constant 0 : i32
      %broadcast_in_dim3A_471 = vector.broadcast %broadcast_in_dim3A_470 : i32 to vector<1x2xi32>
      %slice3A_472 = vector.extract_strided_slice %add3A_469 {offsets = [0, 0], sizes = [1, 2046], strides = [1, 1]} : vector<1x2048xi32> to vector<1x2046xi32>
      %concatenate3A_473 = tpu.concatenate %broadcast_in_dim3A_471, %slice3A_472 in 1 : vector<1x2xi32>, vector<1x2046xi32> -> vector<1x2048xi32>
      %add3A_474 = arith.addi %add3A_469, %concatenate3A_473 : vector<1x2048xi32>
      %broadcast_in_dim3A_475 = arith.constant 0 : i32
      %broadcast_in_dim3A_476 = vector.broadcast %broadcast_in_dim3A_475 : i32 to vector<1x4xi32>
      %slice3A_477 = vector.extract_strided_slice %add3A_474 {offsets = [0, 0], sizes = [1, 2044], strides = [1, 1]} : vector<1x2048xi32> to vector<1x2044xi32>
      %concatenate3A_478 = tpu.concatenate %broadcast_in_dim3A_476, %slice3A_477 in 1 : vector<1x4xi32>, vector<1x2044xi32> -> vector<1x2048xi32>
      %add3A_479 = arith.addi %add3A_474, %concatenate3A_478 : vector<1x2048xi32>
      %broadcast_in_dim3A_480 = arith.constant 0 : i32
      %broadcast_in_dim3A_481 = vector.broadcast %broadcast_in_dim3A_480 : i32 to vector<1x8xi32>
      %slice3A_482 = vector.extract_strided_slice %add3A_479 {offsets = [0, 0], sizes = [1, 2040], strides = [1, 1]} : vector<1x2048xi32> to vector<1x2040xi32>
      %concatenate3A_483 = tpu.concatenate %broadcast_in_dim3A_481, %slice3A_482 in 1 : vector<1x8xi32>, vector<1x2040xi32> -> vector<1x2048xi32>
      %add3A_484 = arith.addi %add3A_479, %concatenate3A_483 : vector<1x2048xi32>
      %broadcast_in_dim3A_485 = arith.constant 0 : i32
      %broadcast_in_dim3A_486 = vector.broadcast %broadcast_in_dim3A_485 : i32 to vector<1x16xi32>
      %slice3A_487 = vector.extract_strided_slice %add3A_484 {offsets = [0, 0], sizes = [1, 2032], strides = [1, 1]} : vector<1x2048xi32> to vector<1x2032xi32>
      %concatenate3A_488 = tpu.concatenate %broadcast_in_dim3A_486, %slice3A_487 in 1 : vector<1x16xi32>, vector<1x2032xi32> -> vector<1x2048xi32>
      %add3A_489 = arith.addi %add3A_484, %concatenate3A_488 : vector<1x2048xi32>
      %broadcast_in_dim3A_490 = arith.constant 0 : i32
      %broadcast_in_dim3A_491 = vector.broadcast %broadcast_in_dim3A_490 : i32 to vector<1x32xi32>
      %slice3A_492 = vector.extract_strided_slice %add3A_489 {offsets = [0, 0], sizes = [1, 2016], strides = [1, 1]} : vector<1x2048xi32> to vector<1x2016xi32>
      %concatenate3A_493 = tpu.concatenate %broadcast_in_dim3A_491, %slice3A_492 in 1 : vector<1x32xi32>, vector<1x2016xi32> -> vector<1x2048xi32>
      %add3A_494 = arith.addi %add3A_489, %concatenate3A_493 : vector<1x2048xi32>
      %broadcast_in_dim3A_495 = arith.constant 0 : i32
      %broadcast_in_dim3A_496 = vector.broadcast %broadcast_in_dim3A_495 : i32 to vector<1x64xi32>
      %slice3A_497 = vector.extract_strided_slice %add3A_494 {offsets = [0, 0], sizes = [1, 1984], strides = [1, 1]} : vector<1x2048xi32> to vector<1x1984xi32>
      %concatenate3A_498 = tpu.concatenate %broadcast_in_dim3A_496, %slice3A_497 in 1 : vector<1x64xi32>, vector<1x1984xi32> -> vector<1x2048xi32>
      %add3A_499 = arith.addi %add3A_494, %concatenate3A_498 : vector<1x2048xi32>
      %broadcast_in_dim3A_500 = arith.constant 0 : i32
      %broadcast_in_dim3A_501 = vector.broadcast %broadcast_in_dim3A_500 : i32 to vector<1x128xi32>
      %slice3A_502 = vector.extract_strided_slice %add3A_499 {offsets = [0, 0], sizes = [1, 1920], strides = [1, 1]} : vector<1x2048xi32> to vector<1x1920xi32>
      %concatenate3A_503 = tpu.concatenate %broadcast_in_dim3A_501, %slice3A_502 in 1 : vector<1x128xi32>, vector<1x1920xi32> -> vector<1x2048xi32>
      %add3A_504 = arith.addi %add3A_499, %concatenate3A_503 : vector<1x2048xi32>
      %broadcast_in_dim3A_505 = arith.constant 0 : i32
      %broadcast_in_dim3A_506 = vector.broadcast %broadcast_in_dim3A_505 : i32 to vector<1x256xi32>
      %slice3A_507 = vector.extract_strided_slice %add3A_504 {offsets = [0, 0], sizes = [1, 1792], strides = [1, 1]} : vector<1x2048xi32> to vector<1x1792xi32>
      %concatenate3A_508 = tpu.concatenate %broadcast_in_dim3A_506, %slice3A_507 in 1 : vector<1x256xi32>, vector<1x1792xi32> -> vector<1x2048xi32>
      %add3A_509 = arith.addi %add3A_504, %concatenate3A_508 : vector<1x2048xi32>
      %broadcast_in_dim3A_510 = arith.constant 0 : i32
      %broadcast_in_dim3A_511 = vector.broadcast %broadcast_in_dim3A_510 : i32 to vector<1x512xi32>
      %slice3A_512 = vector.extract_strided_slice %add3A_509 {offsets = [0, 0], sizes = [1, 1536], strides = [1, 1]} : vector<1x2048xi32> to vector<1x1536xi32>
      %concatenate3A_513 = tpu.concatenate %broadcast_in_dim3A_511, %slice3A_512 in 1 : vector<1x512xi32>, vector<1x1536xi32> -> vector<1x2048xi32>
      %add3A_514 = arith.addi %add3A_509, %concatenate3A_513 : vector<1x2048xi32>
      %broadcast_in_dim3A_515 = arith.constant 0 : i32
      %broadcast_in_dim3A_516 = vector.broadcast %broadcast_in_dim3A_515 : i32 to vector<1x1024xi32>
      %slice3A_517 = vector.extract_strided_slice %add3A_514 {offsets = [0, 0], sizes = [1, 1024], strides = [1, 1]} : vector<1x2048xi32> to vector<1x1024xi32>
      %concatenate3A_518 = tpu.concatenate %broadcast_in_dim3A_516, %slice3A_517 in 1 : vector<1x1024xi32>, vector<1x1024xi32> -> vector<1x2048xi32>
      %add3A_519 = arith.addi %add3A_514, %concatenate3A_518 : vector<1x2048xi32>
      %sub3A_520 = arith.constant 1 : i32
      %sub3A_521 = vector.broadcast %sub3A_520 : i32 to vector<1x2048xi32>
      %sub3A_522 = arith.subi %add3A_519, %sub3A_521 : vector<1x2048xi32>
      %jit3A_523 = arith.constant -1 : i32
      %broadcast_in_dim3A_524 = vector.broadcast %jit3A_523 : i32 to vector<1x2048xi32>
      %select_n3A_525 = arith.select %or3A, %sub3A_522, %broadcast_in_dim3A_524 : vector<1x2048xi1>, vector<1x2048xi32>
      %iota3A_526 = tpu.iota {dimensions = array<i32: 0>} : vector<256x2048xi32>
      %eq3A_527 = vector.broadcast %select_n3A_525 : vector<1x2048xi32> to vector<256x2048xi32>
      %eq3A_528 = arith.cmpi eq, %iota3A_526, %eq3A_527 : vector<256x2048xi32>
      %convert_element_type3A_529 = arith.extui %eq3A_528 : vector<256x2048xi1> to vector<256x2048xi32>
      %convert_element_type3A_530 = arith.sitofp %convert_element_type3A_529 : vector<256x2048xi32> to vector<256x2048xf32>
      %dot_general3A_531 = arith.constant dense<0.000000e+00> : vector<256x1024xf32>
      %dot_general3A_532 = tpu.matmul %convert_element_type3A_530, %get3A_388, %dot_general3A_531 {dimension_numbers = #tpu.dot_dimension_numbers<[1], [0], [0], [1], [0, 0, 1, 1], [], []>, transpose_lhs_hint = false} : vector<256x2048xf32>, vector<2048x1024xf32>, vector<256x1024xf32> -> vector<256x1024xf32>
      %get3A_533 = arith.constant 1024 : index
      %get3A_534 = arith.constant 0 : index
      %get3A_535 = vector.load %arg6[%get3A_533, %get3A_534] : memref<3072x1024xf32, #tpu.memory_space<vmem>>, vector<1024x1024xf32>
      %get3A_536 = arith.constant 2048 : index
      %get3A_537 = arith.constant 0 : index
      %get3A_538 = vector.load %arg6[%get3A_536, %get3A_537] : memref<3072x1024xf32, #tpu.memory_space<vmem>>, vector<1024x1024xf32>
      %dot_general3A_539 = arith.constant dense<0.000000e+00> : vector<256x1024xf32>
      %dot_general3A_540 = tpu.matmul %dot_general3A_532, %get3A_535, %dot_general3A_539 {dimension_numbers = #tpu.dot_dimension_numbers<[1], [1], [0], [0], [0, 0, 1, 0], [], []>, transpose_lhs_hint = false} : vector<256x1024xf32>, vector<1024x1024xf32>, vector<256x1024xf32> -> vector<256x1024xf32>
      %get3A_541 = arith.constant 1 : index
      %get3A_542 = arith.constant 0 : index
      %get3A_543 = vector.load %arg7[%get3A_541, %get3A_542] : memref<3x1024xf32, #tpu.memory_space<vmem>>, vector<1x1024xf32>
      %add3A_544 = vector.broadcast %get3A_543 : vector<1x1024xf32> to vector<256x1024xf32>
      %add3A_545 = arith.addf %dot_general3A_540, %add3A_544 : vector<256x1024xf32>
      %swap3A_546 = arith.constant 0 : index
      %swap3A_547 = arith.constant 0 : index
      %swap3A_548 = vector.load %arg11[%swap3A_546, %swap3A_547] : memref<256x1024xf32, #tpu.memory_space<vmem>>, vector<256x1024xf32>
      tpu.vector_store %arg11[%swap3A_546, %swap3A_547], %add3A_545 {strides = array<i32>} : memref<256x1024xf32, #tpu.memory_space<vmem>>, vector<256x1024xf32>,
      %dot_general3A_549 = arith.constant dense<0.000000e+00> : vector<256x1024xf32>
      %dot_general3A_550 = tpu.matmul %dot_general3A_532, %get3A_538, %dot_general3A_549 {dimension_numbers = #tpu.dot_dimension_numbers<[1], [1], [0], [0], [0, 0, 1, 0], [], []>, transpose_lhs_hint = false} : vector<256x1024xf32>, vector<1024x1024xf32>, vector<256x1024xf32> -> vector<256x1024xf32>
      %get3A_551 = arith.constant 2 : index
      %get3A_552 = arith.constant 0 : index
      %get3A_553 = vector.load %arg7[%get3A_551, %get3A_552] : memref<3x1024xf32, #tpu.memory_space<vmem>>, vector<1x1024xf32>
      %add3A_554 = vector.broadcast %get3A_553 : vector<1x1024xf32> to vector<256x1024xf32>
      %add3A_555 = arith.addf %dot_general3A_550, %add3A_554 : vector<256x1024xf32>
      %swap3A_556 = arith.constant 0 : index
      %swap3A_557 = arith.constant 0 : index
      %swap3A_558 = vector.load %arg12[%swap3A_556, %swap3A_557] : memref<256x1024xf32, #tpu.memory_space<vmem>>, vector<256x1024xf32>
      tpu.vector_store %arg12[%swap3A_556, %swap3A_557], %add3A_555 {strides = array<i32>} : memref<256x1024xf32, #tpu.memory_space<vmem>>, vector<256x1024xf32>,
    } else {
    }
    %get3A = arith.constant 0 : index
    %get3A_2 = arith.constant 0 : index
    %get3A_3 = arith.constant 0 : index
    %get3A_4 = vector.load %arg3[%get3A, %get3A_2, %get3A_3] : memref<1x256x1024xf32, #tpu.memory_space<vmem>>, vector<1x256x1024xf32>
    %get3A_5 = vector.shape_cast %get3A_4 : vector<1x256x1024xf32> to vector<256x1024xf32>
    %get3A_6 = arith.constant 0 : index
    %get3A_7 = arith.constant 0 : index
    %get3A_8 = vector.load %arg6[%get3A_6, %get3A_7] : memref<3072x1024xf32, #tpu.memory_space<vmem>>, vector<1024x1024xf32>
    %dot_general3A = arith.constant dense<0.000000e+00> : vector<256x1024xf32>
    %dot_general3A_9 = tpu.matmul %get3A_5, %get3A_8, %dot_general3A {dimension_numbers = #tpu.dot_dimension_numbers<[1], [1], [0], [0], [0, 0, 1, 0], [], []>, transpose_lhs_hint = false} : vector<256x1024xf32>, vector<1024x1024xf32>, vector<256x1024xf32> -> vector<256x1024xf32>
    %get3A_10 = arith.constant 0 : index
    %get3A_11 = arith.constant 0 : index
    %get3A_12 = vector.load %arg7[%get3A_10, %get3A_11] : memref<3x1024xf32, #tpu.memory_space<vmem>>, vector<1x1024xf32>
    %add3A = vector.broadcast %get3A_12 : vector<1x1024xf32> to vector<256x1024xf32>
    %add3A_13 = arith.addf %dot_general3A_9, %add3A : vector<256x1024xf32>
    %get3A_14 = arith.constant 0 : index
    %get3A_15 = arith.constant 0 : index
    %get3A_16 = vector.load %arg11[%get3A_14, %get3A_15] : memref<256x1024xf32, #tpu.memory_space<vmem>>, vector<256x1024xf32>
    %get3A_17 = arith.constant 0 : index
    %get3A_18 = arith.constant 0 : index
    %get3A_19 = vector.load %arg12[%get3A_17, %get3A_18] : memref<256x1024xf32, #tpu.memory_space<vmem>>, vector<256x1024xf32>
    %iota3A = tpu.iota {dimensions = array<i32: 1>} : vector<256x256xi32>
    %lt3A = arith.constant 204 : i32
    %lt3A_20 = vector.broadcast %lt3A : i32 to vector<256x256xi32>
    %lt3A_21 = arith.cmpi slt, %iota3A, %lt3A_20 : vector<256x256xi32>
    %jit3A = arith.constant 0.000000e+00 : f32
    %jit3A_22 = arith.constant -1.000000e+30 : f32
    %broadcast_in_dim3A = vector.broadcast %jit3A : f32 to vector<256x256xf32>
    %broadcast_in_dim3A_23 = vector.broadcast %jit3A_22 : f32 to vector<256x256xf32>
    %select_n3A = arith.select %lt3A_21, %broadcast_in_dim3A, %broadcast_in_dim3A_23 : vector<256x256xi1>, vector<256x256xf32>
    %slice3A = vector.extract_strided_slice %add3A_13 {offsets = [0, 0], sizes = [256, 64], strides = [1, 1]} : vector<256x1024xf32> to vector<256x64xf32>
    %slice3A_24 = vector.extract_strided_slice %get3A_16 {offsets = [0, 0], sizes = [256, 64], strides = [1, 1]} : vector<256x1024xf32> to vector<256x64xf32>
    %dot_general3A_25 = arith.constant dense<0.000000e+00> : vector<256x256xf32>
    %dot_general3A_26 = tpu.matmul %slice3A, %slice3A_24, %dot_general3A_25 {dimension_numbers = #tpu.dot_dimension_numbers<[1], [1], [0], [0], [0, 0, 1, 0], [], []>, transpose_lhs_hint = false} : vector<256x64xf32>, vector<256x64xf32>, vector<256x256xf32> -> vector<256x256xf32>
    %mul3A = arith.constant 1.250000e-01 : f32
    %mul3A_27 = vector.broadcast %mul3A : f32 to vector<256x256xf32>
    %mul3A_28 = arith.mulf %dot_general3A_26, %mul3A_27 : vector<256x256xf32>
    %add3A_29 = arith.addf %mul3A_28, %select_n3A : vector<256x256xf32>
    %reduce_max3A = arith.constant dense<0xFF800000> : vector<256xf32>
    %reduce_max3A_30 = vector.multi_reduction <maximumf>, %add3A_29, %reduce_max3A [1] : vector<256x256xf32> to vector<256xf32>
    %broadcast_in_dim3A_31 = vector.shape_cast %reduce_max3A_30 : vector<256xf32> to vector<256x1xf32>
    %sub3A = vector.broadcast %broadcast_in_dim3A_31 : vector<256x1xf32> to vector<256x256xf32>
    %sub3A_32 = arith.subf %add3A_29, %sub3A : vector<256x256xf32>
    %exp3A = math.exp %sub3A_32 : vector<256x256xf32>
    %reduce_sum3A = arith.constant dense<0.000000e+00> : vector<256xf32>
    %reduce_sum3A_33 = vector.multi_reduction <add>, %exp3A, %reduce_sum3A [1] : vector<256x256xf32> to vector<256xf32>
    %broadcast_in_dim3A_34 = vector.shape_cast %reduce_sum3A_33 : vector<256xf32> to vector<256x1xf32>
    %slice3A_35 = vector.extract_strided_slice %get3A_19 {offsets = [0, 0], sizes = [256, 64], strides = [1, 1]} : vector<256x1024xf32> to vector<256x64xf32>
    %dot_general3A_36 = arith.constant dense<0.000000e+00> : vector<256x64xf32>
    %dot_general3A_37 = tpu.matmul %exp3A, %slice3A_35, %dot_general3A_36 {dimension_numbers = #tpu.dot_dimension_numbers<[1], [0], [0], [1], [0, 0, 1, 1], [], []>, transpose_lhs_hint = false} : vector<256x256xf32>, vector<256x64xf32>, vector<256x64xf32> -> vector<256x64xf32>
    %div3A = vector.broadcast %broadcast_in_dim3A_34 : vector<256x1xf32> to vector<256x64xf32>
    %div3A_38 = arith.divf %dot_general3A_37, %div3A : vector<256x64xf32>
    %slice3A_39 = vector.extract_strided_slice %add3A_13 {offsets = [0, 64], sizes = [256, 64], strides = [1, 1]} : vector<256x1024xf32> to vector<256x64xf32>
    %slice3A_40 = vector.extract_strided_slice %get3A_16 {offsets = [0, 64], sizes = [256, 64], strides = [1, 1]} : vector<256x1024xf32> to vector<256x64xf32>
    %dot_general3A_41 = arith.constant dense<0.000000e+00> : vector<256x256xf32>
    %dot_general3A_42 = tpu.matmul %slice3A_39, %slice3A_40, %dot_general3A_41 {dimension_numbers = #tpu.dot_dimension_numbers<[1], [1], [0], [0], [0, 0, 1, 0], [], []>, transpose_lhs_hint = false} : vector<256x64xf32>, vector<256x64xf32>, vector<256x256xf32> -> vector<256x256xf32>
    %mul3A_43 = arith.constant 1.250000e-01 : f32
    %mul3A_44 = vector.broadcast %mul3A_43 : f32 to vector<256x256xf32>
    %mul3A_45 = arith.mulf %dot_general3A_42, %mul3A_44 : vector<256x256xf32>
    %add3A_46 = arith.addf %mul3A_45, %select_n3A : vector<256x256xf32>
    %reduce_max3A_47 = arith.constant dense<0xFF800000> : vector<256xf32>
    %reduce_max3A_48 = vector.multi_reduction <maximumf>, %add3A_46, %reduce_max3A_47 [1] : vector<256x256xf32> to vector<256xf32>
    %broadcast_in_dim3A_49 = vector.shape_cast %reduce_max3A_48 : vector<256xf32> to vector<256x1xf32>
    %sub3A_50 = vector.broadcast %broadcast_in_dim3A_49 : vector<256x1xf32> to vector<256x256xf32>
    %sub3A_51 = arith.subf %add3A_46, %sub3A_50 : vector<256x256xf32>
    %exp3A_52 = math.exp %sub3A_51 : vector<256x256xf32>
    %reduce_sum3A_53 = arith.constant dense<0.000000e+00> : vector<256xf32>
    %reduce_sum3A_54 = vector.multi_reduction <add>, %exp3A_52, %reduce_sum3A_53 [1] : vector<256x256xf32> to vector<256xf32>
    %broadcast_in_dim3A_55 = vector.shape_cast %reduce_sum3A_54 : vector<256xf32> to vector<256x1xf32>
    %slice3A_56 = vector.extract_strided_slice %get3A_19 {offsets = [0, 64], sizes = [256, 64], strides = [1, 1]} : vector<256x1024xf32> to vector<256x64xf32>
    %dot_general3A_57 = arith.constant dense<0.000000e+00> : vector<256x64xf32>
    %dot_general3A_58 = tpu.matmul %exp3A_52, %slice3A_56, %dot_general3A_57 {dimension_numbers = #tpu.dot_dimension_numbers<[1], [0], [0], [1], [0, 0, 1, 1], [], []>, transpose_lhs_hint = false} : vector<256x256xf32>, vector<256x64xf32>, vector<256x64xf32> -> vector<256x64xf32>
    %div3A_59 = vector.broadcast %broadcast_in_dim3A_55 : vector<256x1xf32> to vector<256x64xf32>
    %div3A_60 = arith.divf %dot_general3A_58, %div3A_59 : vector<256x64xf32>
    %slice3A_61 = vector.extract_strided_slice %add3A_13 {offsets = [0, 128], sizes = [256, 64], strides = [1, 1]} : vector<256x1024xf32> to vector<256x64xf32>
    %slice3A_62 = vector.extract_strided_slice %get3A_16 {offsets = [0, 128], sizes = [256, 64], strides = [1, 1]} : vector<256x1024xf32> to vector<256x64xf32>
    %dot_general3A_63 = arith.constant dense<0.000000e+00> : vector<256x256xf32>
    %dot_general3A_64 = tpu.matmul %slice3A_61, %slice3A_62, %dot_general3A_63 {dimension_numbers = #tpu.dot_dimension_numbers<[1], [1], [0], [0], [0, 0, 1, 0], [], []>, transpose_lhs_hint = false} : vector<256x64xf32>, vector<256x64xf32>, vector<256x256xf32> -> vector<256x256xf32>
    %mul3A_65 = arith.constant 1.250000e-01 : f32
    %mul3A_66 = vector.broadcast %mul3A_65 : f32 to vector<256x256xf32>
    %mul3A_67 = arith.mulf %dot_general3A_64, %mul3A_66 : vector<256x256xf32>
    %add3A_68 = arith.addf %mul3A_67, %select_n3A : vector<256x256xf32>
    %reduce_max3A_69 = arith.constant dense<0xFF800000> : vector<256xf32>
    %reduce_max3A_70 = vector.multi_reduction <maximumf>, %add3A_68, %reduce_max3A_69 [1] : vector<256x256xf32> to vector<256xf32>
    %broadcast_in_dim3A_71 = vector.shape_cast %reduce_max3A_70 : vector<256xf32> to vector<256x1xf32>
    %sub3A_72 = vector.broadcast %broadcast_in_dim3A_71 : vector<256x1xf32> to vector<256x256xf32>
    %sub3A_73 = arith.subf %add3A_68, %sub3A_72 : vector<256x256xf32>
    %exp3A_74 = math.exp %sub3A_73 : vector<256x256xf32>
    %reduce_sum3A_75 = arith.constant dense<0.000000e+00> : vector<256xf32>
    %reduce_sum3A_76 = vector.multi_reduction <add>, %exp3A_74, %reduce_sum3A_75 [1] : vector<256x256xf32> to vector<256xf32>
    %broadcast_in_dim3A_77 = vector.shape_cast %reduce_sum3A_76 : vector<256xf32> to vector<256x1xf32>
    %slice3A_78 = vector.extract_strided_slice %get3A_19 {offsets = [0, 128], sizes = [256, 64], strides = [1, 1]} : vector<256x1024xf32> to vector<256x64xf32>
    %dot_general3A_79 = arith.constant dense<0.000000e+00> : vector<256x64xf32>
    %dot_general3A_80 = tpu.matmul %exp3A_74, %slice3A_78, %dot_general3A_79 {dimension_numbers = #tpu.dot_dimension_numbers<[1], [0], [0], [1], [0, 0, 1, 1], [], []>, transpose_lhs_hint = false} : vector<256x256xf32>, vector<256x64xf32>, vector<256x64xf32> -> vector<256x64xf32>
    %div3A_81 = vector.broadcast %broadcast_in_dim3A_77 : vector<256x1xf32> to vector<256x64xf32>
    %div3A_82 = arith.divf %dot_general3A_80, %div3A_81 : vector<256x64xf32>
    %slice3A_83 = vector.extract_strided_slice %add3A_13 {offsets = [0, 192], sizes = [256, 64], strides = [1, 1]} : vector<256x1024xf32> to vector<256x64xf32>
    %slice3A_84 = vector.extract_strided_slice %get3A_16 {offsets = [0, 192], sizes = [256, 64], strides = [1, 1]} : vector<256x1024xf32> to vector<256x64xf32>
    %dot_general3A_85 = arith.constant dense<0.000000e+00> : vector<256x256xf32>
    %dot_general3A_86 = tpu.matmul %slice3A_83, %slice3A_84, %dot_general3A_85 {dimension_numbers = #tpu.dot_dimension_numbers<[1], [1], [0], [0], [0, 0, 1, 0], [], []>, transpose_lhs_hint = false} : vector<256x64xf32>, vector<256x64xf32>, vector<256x256xf32> -> vector<256x256xf32>
    %mul3A_87 = arith.constant 1.250000e-01 : f32
    %mul3A_88 = vector.broadcast %mul3A_87 : f32 to vector<256x256xf32>
    %mul3A_89 = arith.mulf %dot_general3A_86, %mul3A_88 : vector<256x256xf32>
    %add3A_90 = arith.addf %mul3A_89, %select_n3A : vector<256x256xf32>
    %reduce_max3A_91 = arith.constant dense<0xFF800000> : vector<256xf32>
    %reduce_max3A_92 = vector.multi_reduction <maximumf>, %add3A_90, %reduce_max3A_91 [1] : vector<256x256xf32> to vector<256xf32>
    %broadcast_in_dim3A_93 = vector.shape_cast %reduce_max3A_92 : vector<256xf32> to vector<256x1xf32>
    %sub3A_94 = vector.broadcast %broadcast_in_dim3A_93 : vector<256x1xf32> to vector<256x256xf32>
    %sub3A_95 = arith.subf %add3A_90, %sub3A_94 : vector<256x256xf32>
    %exp3A_96 = math.exp %sub3A_95 : vector<256x256xf32>
    %reduce_sum3A_97 = arith.constant dense<0.000000e+00> : vector<256xf32>
    %reduce_sum3A_98 = vector.multi_reduction <add>, %exp3A_96, %reduce_sum3A_97 [1] : vector<256x256xf32> to vector<256xf32>
    %broadcast_in_dim3A_99 = vector.shape_cast %reduce_sum3A_98 : vector<256xf32> to vector<256x1xf32>
    %slice3A_100 = vector.extract_strided_slice %get3A_19 {offsets = [0, 192], sizes = [256, 64], strides = [1, 1]} : vector<256x1024xf32> to vector<256x64xf32>
    %dot_general3A_101 = arith.constant dense<0.000000e+00> : vector<256x64xf32>
    %dot_general3A_102 = tpu.matmul %exp3A_96, %slice3A_100, %dot_general3A_101 {dimension_numbers = #tpu.dot_dimension_numbers<[1], [0], [0], [1], [0, 0, 1, 1], [], []>, transpose_lhs_hint = false} : vector<256x256xf32>, vector<256x64xf32>, vector<256x64xf32> -> vector<256x64xf32>
    %div3A_103 = vector.broadcast %broadcast_in_dim3A_99 : vector<256x1xf32> to vector<256x64xf32>
    %div3A_104 = arith.divf %dot_general3A_102, %div3A_103 : vector<256x64xf32>
    %slice3A_105 = vector.extract_strided_slice %add3A_13 {offsets = [0, 256], sizes = [256, 64], strides = [1, 1]} : vector<256x1024xf32> to vector<256x64xf32>
    %slice3A_106 = vector.extract_strided_slice %get3A_16 {offsets = [0, 256], sizes = [256, 64], strides = [1, 1]} : vector<256x1024xf32> to vector<256x64xf32>
    %dot_general3A_107 = arith.constant dense<0.000000e+00> : vector<256x256xf32>
    %dot_general3A_108 = tpu.matmul %slice3A_105, %slice3A_106, %dot_general3A_107 {dimension_numbers = #tpu.dot_dimension_numbers<[1], [1], [0], [0], [0, 0, 1, 0], [], []>, transpose_lhs_hint = false} : vector<256x64xf32>, vector<256x64xf32>, vector<256x256xf32> -> vector<256x256xf32>
    %mul3A_109 = arith.constant 1.250000e-01 : f32
    %mul3A_110 = vector.broadcast %mul3A_109 : f32 to vector<256x256xf32>
    %mul3A_111 = arith.mulf %dot_general3A_108, %mul3A_110 : vector<256x256xf32>
    %add3A_112 = arith.addf %mul3A_111, %select_n3A : vector<256x256xf32>
    %reduce_max3A_113 = arith.constant dense<0xFF800000> : vector<256xf32>
    %reduce_max3A_114 = vector.multi_reduction <maximumf>, %add3A_112, %reduce_max3A_113 [1] : vector<256x256xf32> to vector<256xf32>
    %broadcast_in_dim3A_115 = vector.shape_cast %reduce_max3A_114 : vector<256xf32> to vector<256x1xf32>
    %sub3A_116 = vector.broadcast %broadcast_in_dim3A_115 : vector<256x1xf32> to vector<256x256xf32>
    %sub3A_117 = arith.subf %add3A_112, %sub3A_116 : vector<256x256xf32>
    %exp3A_118 = math.exp %sub3A_117 : vector<256x256xf32>
    %reduce_sum3A_119 = arith.constant dense<0.000000e+00> : vector<256xf32>
    %reduce_sum3A_120 = vector.multi_reduction <add>, %exp3A_118, %reduce_sum3A_119 [1] : vector<256x256xf32> to vector<256xf32>
    %broadcast_in_dim3A_121 = vector.shape_cast %reduce_sum3A_120 : vector<256xf32> to vector<256x1xf32>
    %slice3A_122 = vector.extract_strided_slice %get3A_19 {offsets = [0, 256], sizes = [256, 64], strides = [1, 1]} : vector<256x1024xf32> to vector<256x64xf32>
    %dot_general3A_123 = arith.constant dense<0.000000e+00> : vector<256x64xf32>
    %dot_general3A_124 = tpu.matmul %exp3A_118, %slice3A_122, %dot_general3A_123 {dimension_numbers = #tpu.dot_dimension_numbers<[1], [0], [0], [1], [0, 0, 1, 1], [], []>, transpose_lhs_hint = false} : vector<256x256xf32>, vector<256x64xf32>, vector<256x64xf32> -> vector<256x64xf32>
    %div3A_125 = vector.broadcast %broadcast_in_dim3A_121 : vector<256x1xf32> to vector<256x64xf32>
    %div3A_126 = arith.divf %dot_general3A_124, %div3A_125 : vector<256x64xf32>
    %slice3A_127 = vector.extract_strided_slice %add3A_13 {offsets = [0, 320], sizes = [256, 64], strides = [1, 1]} : vector<256x1024xf32> to vector<256x64xf32>
    %slice3A_128 = vector.extract_strided_slice %get3A_16 {offsets = [0, 320], sizes = [256, 64], strides = [1, 1]} : vector<256x1024xf32> to vector<256x64xf32>
    %dot_general3A_129 = arith.constant dense<0.000000e+00> : vector<256x256xf32>
    %dot_general3A_130 = tpu.matmul %slice3A_127, %slice3A_128, %dot_general3A_129 {dimension_numbers = #tpu.dot_dimension_numbers<[1], [1], [0], [0], [0, 0, 1, 0], [], []>, transpose_lhs_hint = false} : vector<256x64xf32>, vector<256x64xf32>, vector<256x256xf32> -> vector<256x256xf32>
    %mul3A_131 = arith.constant 1.250000e-01 : f32
    %mul3A_132 = vector.broadcast %mul3A_131 : f32 to vector<256x256xf32>
    %mul3A_133 = arith.mulf %dot_general3A_130, %mul3A_132 : vector<256x256xf32>
    %add3A_134 = arith.addf %mul3A_133, %select_n3A : vector<256x256xf32>
    %reduce_max3A_135 = arith.constant dense<0xFF800000> : vector<256xf32>
    %reduce_max3A_136 = vector.multi_reduction <maximumf>, %add3A_134, %reduce_max3A_135 [1] : vector<256x256xf32> to vector<256xf32>
    %broadcast_in_dim3A_137 = vector.shape_cast %reduce_max3A_136 : vector<256xf32> to vector<256x1xf32>
    %sub3A_138 = vector.broadcast %broadcast_in_dim3A_137 : vector<256x1xf32> to vector<256x256xf32>
    %sub3A_139 = arith.subf %add3A_134, %sub3A_138 : vector<256x256xf32>
    %exp3A_140 = math.exp %sub3A_139 : vector<256x256xf32>
    %reduce_sum3A_141 = arith.constant dense<0.000000e+00> : vector<256xf32>
    %reduce_sum3A_142 = vector.multi_reduction <add>, %exp3A_140, %reduce_sum3A_141 [1] : vector<256x256xf32> to vector<256xf32>
    %broadcast_in_dim3A_143 = vector.shape_cast %reduce_sum3A_142 : vector<256xf32> to vector<256x1xf32>
    %slice3A_144 = vector.extract_strided_slice %get3A_19 {offsets = [0, 320], sizes = [256, 64], strides = [1, 1]} : vector<256x1024xf32> to vector<256x64xf32>
    %dot_general3A_145 = arith.constant dense<0.000000e+00> : vector<256x64xf32>
    %dot_general3A_146 = tpu.matmul %exp3A_140, %slice3A_144, %dot_general3A_145 {dimension_numbers = #tpu.dot_dimension_numbers<[1], [0], [0], [1], [0, 0, 1, 1], [], []>, transpose_lhs_hint = false} : vector<256x256xf32>, vector<256x64xf32>, vector<256x64xf32> -> vector<256x64xf32>
    %div3A_147 = vector.broadcast %broadcast_in_dim3A_143 : vector<256x1xf32> to vector<256x64xf32>
    %div3A_148 = arith.divf %dot_general3A_146, %div3A_147 : vector<256x64xf32>
    %slice3A_149 = vector.extract_strided_slice %add3A_13 {offsets = [0, 384], sizes = [256, 64], strides = [1, 1]} : vector<256x1024xf32> to vector<256x64xf32>
    %slice3A_150 = vector.extract_strided_slice %get3A_16 {offsets = [0, 384], sizes = [256, 64], strides = [1, 1]} : vector<256x1024xf32> to vector<256x64xf32>
    %dot_general3A_151 = arith.constant dense<0.000000e+00> : vector<256x256xf32>
    %dot_general3A_152 = tpu.matmul %slice3A_149, %slice3A_150, %dot_general3A_151 {dimension_numbers = #tpu.dot_dimension_numbers<[1], [1], [0], [0], [0, 0, 1, 0], [], []>, transpose_lhs_hint = false} : vector<256x64xf32>, vector<256x64xf32>, vector<256x256xf32> -> vector<256x256xf32>
    %mul3A_153 = arith.constant 1.250000e-01 : f32
    %mul3A_154 = vector.broadcast %mul3A_153 : f32 to vector<256x256xf32>
    %mul3A_155 = arith.mulf %dot_general3A_152, %mul3A_154 : vector<256x256xf32>
    %add3A_156 = arith.addf %mul3A_155, %select_n3A : vector<256x256xf32>
    %reduce_max3A_157 = arith.constant dense<0xFF800000> : vector<256xf32>
    %reduce_max3A_158 = vector.multi_reduction <maximumf>, %add3A_156, %reduce_max3A_157 [1] : vector<256x256xf32> to vector<256xf32>
    %broadcast_in_dim3A_159 = vector.shape_cast %reduce_max3A_158 : vector<256xf32> to vector<256x1xf32>
    %sub3A_160 = vector.broadcast %broadcast_in_dim3A_159 : vector<256x1xf32> to vector<256x256xf32>
    %sub3A_161 = arith.subf %add3A_156, %sub3A_160 : vector<256x256xf32>
    %exp3A_162 = math.exp %sub3A_161 : vector<256x256xf32>
    %reduce_sum3A_163 = arith.constant dense<0.000000e+00> : vector<256xf32>
    %reduce_sum3A_164 = vector.multi_reduction <add>, %exp3A_162, %reduce_sum3A_163 [1] : vector<256x256xf32> to vector<256xf32>
    %broadcast_in_dim3A_165 = vector.shape_cast %reduce_sum3A_164 : vector<256xf32> to vector<256x1xf32>
    %slice3A_166 = vector.extract_strided_slice %get3A_19 {offsets = [0, 384], sizes = [256, 64], strides = [1, 1]} : vector<256x1024xf32> to vector<256x64xf32>
    %dot_general3A_167 = arith.constant dense<0.000000e+00> : vector<256x64xf32>
    %dot_general3A_168 = tpu.matmul %exp3A_162, %slice3A_166, %dot_general3A_167 {dimension_numbers = #tpu.dot_dimension_numbers<[1], [0], [0], [1], [0, 0, 1, 1], [], []>, transpose_lhs_hint = false} : vector<256x256xf32>, vector<256x64xf32>, vector<256x64xf32> -> vector<256x64xf32>
    %div3A_169 = vector.broadcast %broadcast_in_dim3A_165 : vector<256x1xf32> to vector<256x64xf32>
    %div3A_170 = arith.divf %dot_general3A_168, %div3A_169 : vector<256x64xf32>
    %slice3A_171 = vector.extract_strided_slice %add3A_13 {offsets = [0, 448], sizes = [256, 64], strides = [1, 1]} : vector<256x1024xf32> to vector<256x64xf32>
    %slice3A_172 = vector.extract_strided_slice %get3A_16 {offsets = [0, 448], sizes = [256, 64], strides = [1, 1]} : vector<256x1024xf32> to vector<256x64xf32>
    %dot_general3A_173 = arith.constant dense<0.000000e+00> : vector<256x256xf32>
    %dot_general3A_174 = tpu.matmul %slice3A_171, %slice3A_172, %dot_general3A_173 {dimension_numbers = #tpu.dot_dimension_numbers<[1], [1], [0], [0], [0, 0, 1, 0], [], []>, transpose_lhs_hint = false} : vector<256x64xf32>, vector<256x64xf32>, vector<256x256xf32> -> vector<256x256xf32>
    %mul3A_175 = arith.constant 1.250000e-01 : f32
    %mul3A_176 = vector.broadcast %mul3A_175 : f32 to vector<256x256xf32>
    %mul3A_177 = arith.mulf %dot_general3A_174, %mul3A_176 : vector<256x256xf32>
    %add3A_178 = arith.addf %mul3A_177, %select_n3A : vector<256x256xf32>
    %reduce_max3A_179 = arith.constant dense<0xFF800000> : vector<256xf32>
    %reduce_max3A_180 = vector.multi_reduction <maximumf>, %add3A_178, %reduce_max3A_179 [1] : vector<256x256xf32> to vector<256xf32>
    %broadcast_in_dim3A_181 = vector.shape_cast %reduce_max3A_180 : vector<256xf32> to vector<256x1xf32>
    %sub3A_182 = vector.broadcast %broadcast_in_dim3A_181 : vector<256x1xf32> to vector<256x256xf32>
    %sub3A_183 = arith.subf %add3A_178, %sub3A_182 : vector<256x256xf32>
    %exp3A_184 = math.exp %sub3A_183 : vector<256x256xf32>
    %reduce_sum3A_185 = arith.constant dense<0.000000e+00> : vector<256xf32>
    %reduce_sum3A_186 = vector.multi_reduction <add>, %exp3A_184, %reduce_sum3A_185 [1] : vector<256x256xf32> to vector<256xf32>
    %broadcast_in_dim3A_187 = vector.shape_cast %reduce_sum3A_186 : vector<256xf32> to vector<256x1xf32>
    %slice3A_188 = vector.extract_strided_slice %get3A_19 {offsets = [0, 448], sizes = [256, 64], strides = [1, 1]} : vector<256x1024xf32> to vector<256x64xf32>
    %dot_general3A_189 = arith.constant dense<0.000000e+00> : vector<256x64xf32>
    %dot_general3A_190 = tpu.matmul %exp3A_184, %slice3A_188, %dot_general3A_189 {dimension_numbers = #tpu.dot_dimension_numbers<[1], [0], [0], [1], [0, 0, 1, 1], [], []>, transpose_lhs_hint = false} : vector<256x256xf32>, vector<256x64xf32>, vector<256x64xf32> -> vector<256x64xf32>
    %div3A_191 = vector.broadcast %broadcast_in_dim3A_187 : vector<256x1xf32> to vector<256x64xf32>
    %div3A_192 = arith.divf %dot_general3A_190, %div3A_191 : vector<256x64xf32>
    %slice3A_193 = vector.extract_strided_slice %add3A_13 {offsets = [0, 512], sizes = [256, 64], strides = [1, 1]} : vector<256x1024xf32> to vector<256x64xf32>
    %slice3A_194 = vector.extract_strided_slice %get3A_16 {offsets = [0, 512], sizes = [256, 64], strides = [1, 1]} : vector<256x1024xf32> to vector<256x64xf32>
    %dot_general3A_195 = arith.constant dense<0.000000e+00> : vector<256x256xf32>
    %dot_general3A_196 = tpu.matmul %slice3A_193, %slice3A_194, %dot_general3A_195 {dimension_numbers = #tpu.dot_dimension_numbers<[1], [1], [0], [0], [0, 0, 1, 0], [], []>, transpose_lhs_hint = false} : vector<256x64xf32>, vector<256x64xf32>, vector<256x256xf32> -> vector<256x256xf32>
    %mul3A_197 = arith.constant 1.250000e-01 : f32
    %mul3A_198 = vector.broadcast %mul3A_197 : f32 to vector<256x256xf32>
    %mul3A_199 = arith.mulf %dot_general3A_196, %mul3A_198 : vector<256x256xf32>
    %add3A_200 = arith.addf %mul3A_199, %select_n3A : vector<256x256xf32>
    %reduce_max3A_201 = arith.constant dense<0xFF800000> : vector<256xf32>
    %reduce_max3A_202 = vector.multi_reduction <maximumf>, %add3A_200, %reduce_max3A_201 [1] : vector<256x256xf32> to vector<256xf32>
    %broadcast_in_dim3A_203 = vector.shape_cast %reduce_max3A_202 : vector<256xf32> to vector<256x1xf32>
    %sub3A_204 = vector.broadcast %broadcast_in_dim3A_203 : vector<256x1xf32> to vector<256x256xf32>
    %sub3A_205 = arith.subf %add3A_200, %sub3A_204 : vector<256x256xf32>
    %exp3A_206 = math.exp %sub3A_205 : vector<256x256xf32>
    %reduce_sum3A_207 = arith.constant dense<0.000000e+00> : vector<256xf32>
    %reduce_sum3A_208 = vector.multi_reduction <add>, %exp3A_206, %reduce_sum3A_207 [1] : vector<256x256xf32> to vector<256xf32>
    %broadcast_in_dim3A_209 = vector.shape_cast %reduce_sum3A_208 : vector<256xf32> to vector<256x1xf32>
    %slice3A_210 = vector.extract_strided_slice %get3A_19 {offsets = [0, 512], sizes = [256, 64], strides = [1, 1]} : vector<256x1024xf32> to vector<256x64xf32>
    %dot_general3A_211 = arith.constant dense<0.000000e+00> : vector<256x64xf32>
    %dot_general3A_212 = tpu.matmul %exp3A_206, %slice3A_210, %dot_general3A_211 {dimension_numbers = #tpu.dot_dimension_numbers<[1], [0], [0], [1], [0, 0, 1, 1], [], []>, transpose_lhs_hint = false} : vector<256x256xf32>, vector<256x64xf32>, vector<256x64xf32> -> vector<256x64xf32>
    %div3A_213 = vector.broadcast %broadcast_in_dim3A_209 : vector<256x1xf32> to vector<256x64xf32>
    %div3A_214 = arith.divf %dot_general3A_212, %div3A_213 : vector<256x64xf32>
    %slice3A_215 = vector.extract_strided_slice %add3A_13 {offsets = [0, 576], sizes = [256, 64], strides = [1, 1]} : vector<256x1024xf32> to vector<256x64xf32>
    %slice3A_216 = vector.extract_strided_slice %get3A_16 {offsets = [0, 576], sizes = [256, 64], strides = [1, 1]} : vector<256x1024xf32> to vector<256x64xf32>
    %dot_general3A_217 = arith.constant dense<0.000000e+00> : vector<256x256xf32>
    %dot_general3A_218 = tpu.matmul %slice3A_215, %slice3A_216, %dot_general3A_217 {dimension_numbers = #tpu.dot_dimension_numbers<[1], [1], [0], [0], [0, 0, 1, 0], [], []>, transpose_lhs_hint = false} : vector<256x64xf32>, vector<256x64xf32>, vector<256x256xf32> -> vector<256x256xf32>
    %mul3A_219 = arith.constant 1.250000e-01 : f32
    %mul3A_220 = vector.broadcast %mul3A_219 : f32 to vector<256x256xf32>
    %mul3A_221 = arith.mulf %dot_general3A_218, %mul3A_220 : vector<256x256xf32>
    %add3A_222 = arith.addf %mul3A_221, %select_n3A : vector<256x256xf32>
    %reduce_max3A_223 = arith.constant dense<0xFF800000> : vector<256xf32>
    %reduce_max3A_224 = vector.multi_reduction <maximumf>, %add3A_222, %reduce_max3A_223 [1] : vector<256x256xf32> to vector<256xf32>
    %broadcast_in_dim3A_225 = vector.shape_cast %reduce_max3A_224 : vector<256xf32> to vector<256x1xf32>
    %sub3A_226 = vector.broadcast %broadcast_in_dim3A_225 : vector<256x1xf32> to vector<256x256xf32>
    %sub3A_227 = arith.subf %add3A_222, %sub3A_226 : vector<256x256xf32>
    %exp3A_228 = math.exp %sub3A_227 : vector<256x256xf32>
    %reduce_sum3A_229 = arith.constant dense<0.000000e+00> : vector<256xf32>
    %reduce_sum3A_230 = vector.multi_reduction <add>, %exp3A_228, %reduce_sum3A_229 [1] : vector<256x256xf32> to vector<256xf32>
    %broadcast_in_dim3A_231 = vector.shape_cast %reduce_sum3A_230 : vector<256xf32> to vector<256x1xf32>
    %slice3A_232 = vector.extract_strided_slice %get3A_19 {offsets = [0, 576], sizes = [256, 64], strides = [1, 1]} : vector<256x1024xf32> to vector<256x64xf32>
    %dot_general3A_233 = arith.constant dense<0.000000e+00> : vector<256x64xf32>
    %dot_general3A_234 = tpu.matmul %exp3A_228, %slice3A_232, %dot_general3A_233 {dimension_numbers = #tpu.dot_dimension_numbers<[1], [0], [0], [1], [0, 0, 1, 1], [], []>, transpose_lhs_hint = false} : vector<256x256xf32>, vector<256x64xf32>, vector<256x64xf32> -> vector<256x64xf32>
    %div3A_235 = vector.broadcast %broadcast_in_dim3A_231 : vector<256x1xf32> to vector<256x64xf32>
    %div3A_236 = arith.divf %dot_general3A_234, %div3A_235 : vector<256x64xf32>
    %slice3A_237 = vector.extract_strided_slice %add3A_13 {offsets = [0, 640], sizes = [256, 64], strides = [1, 1]} : vector<256x1024xf32> to vector<256x64xf32>
    %slice3A_238 = vector.extract_strided_slice %get3A_16 {offsets = [0, 640], sizes = [256, 64], strides = [1, 1]} : vector<256x1024xf32> to vector<256x64xf32>
    %dot_general3A_239 = arith.constant dense<0.000000e+00> : vector<256x256xf32>
    %dot_general3A_240 = tpu.matmul %slice3A_237, %slice3A_238, %dot_general3A_239 {dimension_numbers = #tpu.dot_dimension_numbers<[1], [1], [0], [0], [0, 0, 1, 0], [], []>, transpose_lhs_hint = false} : vector<256x64xf32>, vector<256x64xf32>, vector<256x256xf32> -> vector<256x256xf32>
    %mul3A_241 = arith.constant 1.250000e-01 : f32
    %mul3A_242 = vector.broadcast %mul3A_241 : f32 to vector<256x256xf32>
    %mul3A_243 = arith.mulf %dot_general3A_240, %mul3A_242 : vector<256x256xf32>
    %add3A_244 = arith.addf %mul3A_243, %select_n3A : vector<256x256xf32>
    %reduce_max3A_245 = arith.constant dense<0xFF800000> : vector<256xf32>
    %reduce_max3A_246 = vector.multi_reduction <maximumf>, %add3A_244, %reduce_max3A_245 [1] : vector<256x256xf32> to vector<256xf32>
    %broadcast_in_dim3A_247 = vector.shape_cast %reduce_max3A_246 : vector<256xf32> to vector<256x1xf32>
    %sub3A_248 = vector.broadcast %broadcast_in_dim3A_247 : vector<256x1xf32> to vector<256x256xf32>
    %sub3A_249 = arith.subf %add3A_244, %sub3A_248 : vector<256x256xf32>
    %exp3A_250 = math.exp %sub3A_249 : vector<256x256xf32>
    %reduce_sum3A_251 = arith.constant dense<0.000000e+00> : vector<256xf32>
    %reduce_sum3A_252 = vector.multi_reduction <add>, %exp3A_250, %reduce_sum3A_251 [1] : vector<256x256xf32> to vector<256xf32>
    %broadcast_in_dim3A_253 = vector.shape_cast %reduce_sum3A_252 : vector<256xf32> to vector<256x1xf32>
    %slice3A_254 = vector.extract_strided_slice %get3A_19 {offsets = [0, 640], sizes = [256, 64], strides = [1, 1]} : vector<256x1024xf32> to vector<256x64xf32>
    %dot_general3A_255 = arith.constant dense<0.000000e+00> : vector<256x64xf32>
    %dot_general3A_256 = tpu.matmul %exp3A_250, %slice3A_254, %dot_general3A_255 {dimension_numbers = #tpu.dot_dimension_numbers<[1], [0], [0], [1], [0, 0, 1, 1], [], []>, transpose_lhs_hint = false} : vector<256x256xf32>, vector<256x64xf32>, vector<256x64xf32> -> vector<256x64xf32>
    %div3A_257 = vector.broadcast %broadcast_in_dim3A_253 : vector<256x1xf32> to vector<256x64xf32>
    %div3A_258 = arith.divf %dot_general3A_256, %div3A_257 : vector<256x64xf32>
    %slice3A_259 = vector.extract_strided_slice %add3A_13 {offsets = [0, 704], sizes = [256, 64], strides = [1, 1]} : vector<256x1024xf32> to vector<256x64xf32>
    %slice3A_260 = vector.extract_strided_slice %get3A_16 {offsets = [0, 704], sizes = [256, 64], strides = [1, 1]} : vector<256x1024xf32> to vector<256x64xf32>
    %dot_general3A_261 = arith.constant dense<0.000000e+00> : vector<256x256xf32>
    %dot_general3A_262 = tpu.matmul %slice3A_259, %slice3A_260, %dot_general3A_261 {dimension_numbers = #tpu.dot_dimension_numbers<[1], [1], [0], [0], [0, 0, 1, 0], [], []>, transpose_lhs_hint = false} : vector<256x64xf32>, vector<256x64xf32>, vector<256x256xf32> -> vector<256x256xf32>
    %mul3A_263 = arith.constant 1.250000e-01 : f32
    %mul3A_264 = vector.broadcast %mul3A_263 : f32 to vector<256x256xf32>
    %mul3A_265 = arith.mulf %dot_general3A_262, %mul3A_264 : vector<256x256xf32>
    %add3A_266 = arith.addf %mul3A_265, %select_n3A : vector<256x256xf32>
    %reduce_max3A_267 = arith.constant dense<0xFF800000> : vector<256xf32>
    %reduce_max3A_268 = vector.multi_reduction <maximumf>, %add3A_266, %reduce_max3A_267 [1] : vector<256x256xf32> to vector<256xf32>
    %broadcast_in_dim3A_269 = vector.shape_cast %reduce_max3A_268 : vector<256xf32> to vector<256x1xf32>
    %sub3A_270 = vector.broadcast %broadcast_in_dim3A_269 : vector<256x1xf32> to vector<256x256xf32>
    %sub3A_271 = arith.subf %add3A_266, %sub3A_270 : vector<256x256xf32>
    %exp3A_272 = math.exp %sub3A_271 : vector<256x256xf32>
    %reduce_sum3A_273 = arith.constant dense<0.000000e+00> : vector<256xf32>
    %reduce_sum3A_274 = vector.multi_reduction <add>, %exp3A_272, %reduce_sum3A_273 [1] : vector<256x256xf32> to vector<256xf32>
    %broadcast_in_dim3A_275 = vector.shape_cast %reduce_sum3A_274 : vector<256xf32> to vector<256x1xf32>
    %slice3A_276 = vector.extract_strided_slice %get3A_19 {offsets = [0, 704], sizes = [256, 64], strides = [1, 1]} : vector<256x1024xf32> to vector<256x64xf32>
    %dot_general3A_277 = arith.constant dense<0.000000e+00> : vector<256x64xf32>
    %dot_general3A_278 = tpu.matmul %exp3A_272, %slice3A_276, %dot_general3A_277 {dimension_numbers = #tpu.dot_dimension_numbers<[1], [0], [0], [1], [0, 0, 1, 1], [], []>, transpose_lhs_hint = false} : vector<256x256xf32>, vector<256x64xf32>, vector<256x64xf32> -> vector<256x64xf32>
    %div3A_279 = vector.broadcast %broadcast_in_dim3A_275 : vector<256x1xf32> to vector<256x64xf32>
    %div3A_280 = arith.divf %dot_general3A_278, %div3A_279 : vector<256x64xf32>
    %slice3A_281 = vector.extract_strided_slice %add3A_13 {offsets = [0, 768], sizes = [256, 64], strides = [1, 1]} : vector<256x1024xf32> to vector<256x64xf32>
    %slice3A_282 = vector.extract_strided_slice %get3A_16 {offsets = [0, 768], sizes = [256, 64], strides = [1, 1]} : vector<256x1024xf32> to vector<256x64xf32>
    %dot_general3A_283 = arith.constant dense<0.000000e+00> : vector<256x256xf32>
    %dot_general3A_284 = tpu.matmul %slice3A_281, %slice3A_282, %dot_general3A_283 {dimension_numbers = #tpu.dot_dimension_numbers<[1], [1], [0], [0], [0, 0, 1, 0], [], []>, transpose_lhs_hint = false} : vector<256x64xf32>, vector<256x64xf32>, vector<256x256xf32> -> vector<256x256xf32>
    %mul3A_285 = arith.constant 1.250000e-01 : f32
    %mul3A_286 = vector.broadcast %mul3A_285 : f32 to vector<256x256xf32>
    %mul3A_287 = arith.mulf %dot_general3A_284, %mul3A_286 : vector<256x256xf32>
    %add3A_288 = arith.addf %mul3A_287, %select_n3A : vector<256x256xf32>
    %reduce_max3A_289 = arith.constant dense<0xFF800000> : vector<256xf32>
    %reduce_max3A_290 = vector.multi_reduction <maximumf>, %add3A_288, %reduce_max3A_289 [1] : vector<256x256xf32> to vector<256xf32>
    %broadcast_in_dim3A_291 = vector.shape_cast %reduce_max3A_290 : vector<256xf32> to vector<256x1xf32>
    %sub3A_292 = vector.broadcast %broadcast_in_dim3A_291 : vector<256x1xf32> to vector<256x256xf32>
    %sub3A_293 = arith.subf %add3A_288, %sub3A_292 : vector<256x256xf32>
    %exp3A_294 = math.exp %sub3A_293 : vector<256x256xf32>
    %reduce_sum3A_295 = arith.constant dense<0.000000e+00> : vector<256xf32>
    %reduce_sum3A_296 = vector.multi_reduction <add>, %exp3A_294, %reduce_sum3A_295 [1] : vector<256x256xf32> to vector<256xf32>
    %broadcast_in_dim3A_297 = vector.shape_cast %reduce_sum3A_296 : vector<256xf32> to vector<256x1xf32>
    %slice3A_298 = vector.extract_strided_slice %get3A_19 {offsets = [0, 768], sizes = [256, 64], strides = [1, 1]} : vector<256x1024xf32> to vector<256x64xf32>
    %dot_general3A_299 = arith.constant dense<0.000000e+00> : vector<256x64xf32>
    %dot_general3A_300 = tpu.matmul %exp3A_294, %slice3A_298, %dot_general3A_299 {dimension_numbers = #tpu.dot_dimension_numbers<[1], [0], [0], [1], [0, 0, 1, 1], [], []>, transpose_lhs_hint = false} : vector<256x256xf32>, vector<256x64xf32>, vector<256x64xf32> -> vector<256x64xf32>
    %div3A_301 = vector.broadcast %broadcast_in_dim3A_297 : vector<256x1xf32> to vector<256x64xf32>
    %div3A_302 = arith.divf %dot_general3A_300, %div3A_301 : vector<256x64xf32>
    %slice3A_303 = vector.extract_strided_slice %add3A_13 {offsets = [0, 832], sizes = [256, 64], strides = [1, 1]} : vector<256x1024xf32> to vector<256x64xf32>
    %slice3A_304 = vector.extract_strided_slice %get3A_16 {offsets = [0, 832], sizes = [256, 64], strides = [1, 1]} : vector<256x1024xf32> to vector<256x64xf32>
    %dot_general3A_305 = arith.constant dense<0.000000e+00> : vector<256x256xf32>
    %dot_general3A_306 = tpu.matmul %slice3A_303, %slice3A_304, %dot_general3A_305 {dimension_numbers = #tpu.dot_dimension_numbers<[1], [1], [0], [0], [0, 0, 1, 0], [], []>, transpose_lhs_hint = false} : vector<256x64xf32>, vector<256x64xf32>, vector<256x256xf32> -> vector<256x256xf32>
    %mul3A_307 = arith.constant 1.250000e-01 : f32
    %mul3A_308 = vector.broadcast %mul3A_307 : f32 to vector<256x256xf32>
    %mul3A_309 = arith.mulf %dot_general3A_306, %mul3A_308 : vector<256x256xf32>
    %add3A_310 = arith.addf %mul3A_309, %select_n3A : vector<256x256xf32>
    %reduce_max3A_311 = arith.constant dense<0xFF800000> : vector<256xf32>
    %reduce_max3A_312 = vector.multi_reduction <maximumf>, %add3A_310, %reduce_max3A_311 [1] : vector<256x256xf32> to vector<256xf32>
    %broadcast_in_dim3A_313 = vector.shape_cast %reduce_max3A_312 : vector<256xf32> to vector<256x1xf32>
    %sub3A_314 = vector.broadcast %broadcast_in_dim3A_313 : vector<256x1xf32> to vector<256x256xf32>
    %sub3A_315 = arith.subf %add3A_310, %sub3A_314 : vector<256x256xf32>
    %exp3A_316 = math.exp %sub3A_315 : vector<256x256xf32>
    %reduce_sum3A_317 = arith.constant dense<0.000000e+00> : vector<256xf32>
    %reduce_sum3A_318 = vector.multi_reduction <add>, %exp3A_316, %reduce_sum3A_317 [1] : vector<256x256xf32> to vector<256xf32>
    %broadcast_in_dim3A_319 = vector.shape_cast %reduce_sum3A_318 : vector<256xf32> to vector<256x1xf32>
    %slice3A_320 = vector.extract_strided_slice %get3A_19 {offsets = [0, 832], sizes = [256, 64], strides = [1, 1]} : vector<256x1024xf32> to vector<256x64xf32>
    %dot_general3A_321 = arith.constant dense<0.000000e+00> : vector<256x64xf32>
    %dot_general3A_322 = tpu.matmul %exp3A_316, %slice3A_320, %dot_general3A_321 {dimension_numbers = #tpu.dot_dimension_numbers<[1], [0], [0], [1], [0, 0, 1, 1], [], []>, transpose_lhs_hint = false} : vector<256x256xf32>, vector<256x64xf32>, vector<256x64xf32> -> vector<256x64xf32>
    %div3A_323 = vector.broadcast %broadcast_in_dim3A_319 : vector<256x1xf32> to vector<256x64xf32>
    %div3A_324 = arith.divf %dot_general3A_322, %div3A_323 : vector<256x64xf32>
    %slice3A_325 = vector.extract_strided_slice %add3A_13 {offsets = [0, 896], sizes = [256, 64], strides = [1, 1]} : vector<256x1024xf32> to vector<256x64xf32>
    %slice3A_326 = vector.extract_strided_slice %get3A_16 {offsets = [0, 896], sizes = [256, 64], strides = [1, 1]} : vector<256x1024xf32> to vector<256x64xf32>
    %dot_general3A_327 = arith.constant dense<0.000000e+00> : vector<256x256xf32>
    %dot_general3A_328 = tpu.matmul %slice3A_325, %slice3A_326, %dot_general3A_327 {dimension_numbers = #tpu.dot_dimension_numbers<[1], [1], [0], [0], [0, 0, 1, 0], [], []>, transpose_lhs_hint = false} : vector<256x64xf32>, vector<256x64xf32>, vector<256x256xf32> -> vector<256x256xf32>
    %mul3A_329 = arith.constant 1.250000e-01 : f32
    %mul3A_330 = vector.broadcast %mul3A_329 : f32 to vector<256x256xf32>
    %mul3A_331 = arith.mulf %dot_general3A_328, %mul3A_330 : vector<256x256xf32>
    %add3A_332 = arith.addf %mul3A_331, %select_n3A : vector<256x256xf32>
    %reduce_max3A_333 = arith.constant dense<0xFF800000> : vector<256xf32>
    %reduce_max3A_334 = vector.multi_reduction <maximumf>, %add3A_332, %reduce_max3A_333 [1] : vector<256x256xf32> to vector<256xf32>
    %broadcast_in_dim3A_335 = vector.shape_cast %reduce_max3A_334 : vector<256xf32> to vector<256x1xf32>
    %sub3A_336 = vector.broadcast %broadcast_in_dim3A_335 : vector<256x1xf32> to vector<256x256xf32>
    %sub3A_337 = arith.subf %add3A_332, %sub3A_336 : vector<256x256xf32>
    %exp3A_338 = math.exp %sub3A_337 : vector<256x256xf32>
    %reduce_sum3A_339 = arith.constant dense<0.000000e+00> : vector<256xf32>
    %reduce_sum3A_340 = vector.multi_reduction <add>, %exp3A_338, %reduce_sum3A_339 [1] : vector<256x256xf32> to vector<256xf32>
    %broadcast_in_dim3A_341 = vector.shape_cast %reduce_sum3A_340 : vector<256xf32> to vector<256x1xf32>
    %slice3A_342 = vector.extract_strided_slice %get3A_19 {offsets = [0, 896], sizes = [256, 64], strides = [1, 1]} : vector<256x1024xf32> to vector<256x64xf32>
    %dot_general3A_343 = arith.constant dense<0.000000e+00> : vector<256x64xf32>
    %dot_general3A_344 = tpu.matmul %exp3A_338, %slice3A_342, %dot_general3A_343 {dimension_numbers = #tpu.dot_dimension_numbers<[1], [0], [0], [1], [0, 0, 1, 1], [], []>, transpose_lhs_hint = false} : vector<256x256xf32>, vector<256x64xf32>, vector<256x64xf32> -> vector<256x64xf32>
    %div3A_345 = vector.broadcast %broadcast_in_dim3A_341 : vector<256x1xf32> to vector<256x64xf32>
    %div3A_346 = arith.divf %dot_general3A_344, %div3A_345 : vector<256x64xf32>
    %slice3A_347 = vector.extract_strided_slice %add3A_13 {offsets = [0, 960], sizes = [256, 64], strides = [1, 1]} : vector<256x1024xf32> to vector<256x64xf32>
    %slice3A_348 = vector.extract_strided_slice %get3A_16 {offsets = [0, 960], sizes = [256, 64], strides = [1, 1]} : vector<256x1024xf32> to vector<256x64xf32>
    %dot_general3A_349 = arith.constant dense<0.000000e+00> : vector<256x256xf32>
    %dot_general3A_350 = tpu.matmul %slice3A_347, %slice3A_348, %dot_general3A_349 {dimension_numbers = #tpu.dot_dimension_numbers<[1], [1], [0], [0], [0, 0, 1, 0], [], []>, transpose_lhs_hint = false} : vector<256x64xf32>, vector<256x64xf32>, vector<256x256xf32> -> vector<256x256xf32>
    %mul3A_351 = arith.constant 1.250000e-01 : f32
    %mul3A_352 = vector.broadcast %mul3A_351 : f32 to vector<256x256xf32>
    %mul3A_353 = arith.mulf %dot_general3A_350, %mul3A_352 : vector<256x256xf32>
    %add3A_354 = arith.addf %mul3A_353, %select_n3A : vector<256x256xf32>
    %reduce_max3A_355 = arith.constant dense<0xFF800000> : vector<256xf32>
    %reduce_max3A_356 = vector.multi_reduction <maximumf>, %add3A_354, %reduce_max3A_355 [1] : vector<256x256xf32> to vector<256xf32>
    %broadcast_in_dim3A_357 = vector.shape_cast %reduce_max3A_356 : vector<256xf32> to vector<256x1xf32>
    %sub3A_358 = vector.broadcast %broadcast_in_dim3A_357 : vector<256x1xf32> to vector<256x256xf32>
    %sub3A_359 = arith.subf %add3A_354, %sub3A_358 : vector<256x256xf32>
    %exp3A_360 = math.exp %sub3A_359 : vector<256x256xf32>
    %reduce_sum3A_361 = arith.constant dense<0.000000e+00> : vector<256xf32>
    %reduce_sum3A_362 = vector.multi_reduction <add>, %exp3A_360, %reduce_sum3A_361 [1] : vector<256x256xf32> to vector<256xf32>
    %broadcast_in_dim3A_363 = vector.shape_cast %reduce_sum3A_362 : vector<256xf32> to vector<256x1xf32>
    %slice3A_364 = vector.extract_strided_slice %get3A_19 {offsets = [0, 960], sizes = [256, 64], strides = [1, 1]} : vector<256x1024xf32> to vector<256x64xf32>
    %dot_general3A_365 = arith.constant dense<0.000000e+00> : vector<256x64xf32>
    %dot_general3A_366 = tpu.matmul %exp3A_360, %slice3A_364, %dot_general3A_365 {dimension_numbers = #tpu.dot_dimension_numbers<[1], [0], [0], [1], [0, 0, 1, 1], [], []>, transpose_lhs_hint = false} : vector<256x256xf32>, vector<256x64xf32>, vector<256x64xf32> -> vector<256x64xf32>
    %div3A_367 = vector.broadcast %broadcast_in_dim3A_363 : vector<256x1xf32> to vector<256x64xf32>
    %div3A_368 = arith.divf %dot_general3A_366, %div3A_367 : vector<256x64xf32>
    %concatenate3A = tpu.concatenate %div3A_38, %div3A_60, %div3A_82, %div3A_104, %div3A_126, %div3A_148, %div3A_170, %div3A_192, %div3A_214, %div3A_236, %div3A_258, %div3A_280, %div3A_302, %div3A_324, %div3A_346, %div3A_368 in 1 : vector<256x64xf32>, vector<256x64xf32>, vector<256x64xf32>, vector<256x64xf32>, vector<256x64xf32>, vector<256x64xf32>, vector<256x64xf32>, vector<256x64xf32>, vector<256x64xf32>, vector<256x64xf32>, vector<256x64xf32>, vector<256x64xf32>, vector<256x64xf32>, vector<256x64xf32>, vector<256x64xf32>, vector<256x64xf32> -> vector<256x1024xf32>
    %get3A_369 = arith.constant 0 : index
    %get3A_370 = arith.constant 0 : index
    %get3A_371 = vector.load %arg8[%get3A_369, %get3A_370] : memref<1024x1024xf32, #tpu.memory_space<vmem>>, vector<1024x1024xf32>
    %dot_general3A_372 = arith.constant dense<0.000000e+00> : vector<256x1024xf32>
    %dot_general3A_373 = tpu.matmul %concatenate3A, %get3A_371, %dot_general3A_372 {dimension_numbers = #tpu.dot_dimension_numbers<[1], [1], [0], [0], [0, 0, 1, 0], [], []>, transpose_lhs_hint = false} : vector<256x1024xf32>, vector<1024x1024xf32>, vector<256x1024xf32> -> vector<256x1024xf32>
    %get3A_374 = arith.constant 0 : index
    %get3A_375 = arith.constant 0 : index
    %get3A_376 = vector.load %arg9[%get3A_374, %get3A_375] : memref<1x1024xf32, #tpu.memory_space<vmem>>, vector<1x1024xf32>
    %add3A_377 = vector.broadcast %get3A_376 : vector<1x1024xf32> to vector<256x1024xf32>
    %add3A_378 = arith.addf %dot_general3A_373, %add3A_377 : vector<256x1024xf32>
    %swap3A = arith.constant 0 : index
    %swap3A_379 = arith.constant 0 : index
    %swap3A_380 = arith.constant 0 : index
    %swap3A_381 = vector.load %arg10[%swap3A, %swap3A_379, %swap3A_380] : memref<1x256x1024xf32, #tpu.memory_space<vmem>>, vector<1x256x1024xf32>
    %swap3A_382 = vector.shape_cast %swap3A_381 : vector<1x256x1024xf32> to vector<256x1024xf32>
    %swap3A_383 = vector.shape_cast %add3A_378 : vector<256x1024xf32> to vector<1x256x1024xf32>
    tpu.vector_store %arg10[%swap3A, %swap3A_379, %swap3A_380], %swap3A_383 {strides = array<i32>} : memref<1x256x1024xf32, #tpu.memory_space<vmem>>, vector<1x256x1024xf32>,
    return
  }
  func.func @transform_0(%arg0: i32, %arg1: i32) -> (i32, i32, i32) {
    %c0_i32 = arith.constant 0 : i32
    %c0_i32_0 = arith.constant 0 : i32
    %c0_i32_1 = arith.constant 0 : i32
    return %arg0, %c0_i32, %c0_i32_0 : i32, i32, i32
  }
  func.func @transform_1(%arg0: i32, %arg1: i32) -> (i32, i32, i32) {
    %c0_i32 = arith.constant 0 : i32
    %c0_i32_0 = arith.constant 0 : i32
    return %arg0, %arg1, %c0_i32 : i32, i32, i32
  }
  func.func @transform_2(%arg0: i32, %arg1: i32) -> (i32, i32, i32) {
    %c0_i32 = arith.constant 0 : i32
    %c0_i32_0 = arith.constant 0 : i32
    %c0_i32_1 = arith.constant 0 : i32
    return %arg0, %c0_i32, %c0_i32_0 : i32, i32, i32
  }
  func.func @transform_3(%arg0: i32, %arg1: i32) -> (i32, i32, i32) {
    %c0_i32 = arith.constant 0 : i32
    %c0_i32_0 = arith.constant 0 : i32
    %c0_i32_1 = arith.constant 0 : i32
    return %arg0, %c0_i32, %c0_i32_0 : i32, i32, i32
  }
  func.func @transform_4(%arg0: i32, %arg1: i32) -> (i32, i32) {
    %c0_i32 = arith.constant 0 : i32
    %c0_i32_0 = arith.constant 0 : i32
    %c0_i32_1 = arith.constant 0 : i32
    return %c0_i32, %c0_i32_0 : i32, i32
  }
  func.func @transform_5(%arg0: i32, %arg1: i32) -> (i32, i32) {
    %c0_i32 = arith.constant 0 : i32
    %c0_i32_0 = arith.constant 0 : i32
    %c0_i32_1 = arith.constant 0 : i32
    return %c0_i32, %c0_i32_0 : i32, i32
  }
  func.func @transform_6(%arg0: i32, %arg1: i32) -> (i32, i32) {
    %c0_i32 = arith.constant 0 : i32
    %c0_i32_0 = arith.constant 0 : i32
    %c0_i32_1 = arith.constant 0 : i32
    return %c0_i32, %c0_i32_0 : i32, i32
  }
  func.func @transform_7(%arg0: i32, %arg1: i32) -> (i32, i32) {
    %c0_i32 = arith.constant 0 : i32
    %c0_i32_0 = arith.constant 0 : i32
    %c0_i32_1 = arith.constant 0 : i32
    return %c0_i32, %c0_i32_0 : i32, i32
  }
  func.func @transform_8(%arg0: i32, %arg1: i32) -> (i32, i32, i32) {
    %c0_i32 = arith.constant 0 : i32
    %c0_i32_0 = arith.constant 0 : i32
    return %arg0, %arg1, %c0_i32 : i32, i32, i32
  }
}

</mosaic_0001>

<sc_bundles>
// kernel: kernel.5.cloned.1.call-start
scs
__scs_entry_jumppad:
0x0: {  	(pc) =	sbr.rel $0x88, $3  }
0x1: {  	(tag) =	ssettag $0x0;
	lr =	simm.s32 $0x1  }
0x2: {  	[smem:$0x3F98] =	sst lr;
	_ =	strace $0xD0000000  }
0x3: {  	_ = 	snop  }
0x4: {  	_ = 	snop  }
0x5: {  	_ = 	snop  }
0x6: {  	_ = 	snop  }
0x7: {  	_ = 	snop  }
__scs_overlays_trampoline_lowered:
0x8: {  	[smem:$0x3FA7] =	sst s0  }
0x9: {  	[smem:$0x3FA8] =	sst s1  }
0xa: {  	[smem:$0x3FA9] =	sst s2  }
0xb: {  	[smem:$0x3FAA] =	sst s3  }
0xc: {  	[smem:$0x3FAB] =	sst s4  }
0xd: {  	[smem:$0x3FAC] =	sst s5  }
0xe: {  	[smem:$0x3FAD] =	sst s6  }
0xf: {  	[smem:$0x3FAE] =	sst s7  }
0x10: {  	[smem:$0x3FAF] =	sst s8  }
0x11: {  	[smem:$0x3FB0] =	sst s9;
	s0 =	simm.s32 @!p0 $0x0  }
0x12: {  	s1 =	sld [smem:$0x3F96];
	s0 =	simm.s32 @p0 $0x1  }
0x13: {  	[smem:$0x3FB1] =	sst s0;
	s0 =	simm.s32 @!p1 $0x0  }
0x14: {  	s2 =	sld [smem:$0x3F95];
	s0 =	simm.s32 @p1 $0x1  }
0x15: {  	[smem:$0x3FB2] =	sst s0;
	s0 =	simm.s32 @!p2 $0x0  }
0x16: {  	s3 =	sld [smem:$0x3FDB];
	s0 =	simm.s32 @p2 $0x1  }
0x17: {  	s4 =	simm.s32 $0x1BF5;
	[smem:$0x3FB4] =	sst s0  }
0x18: {  	s0 =	sld [smem:$0x3F97];
	_ =	swait.ge [sflag:s4], $0x0  }
0x19: {  	s7 =	sld [smem:$0x3F98]  }
0x1a: {  	s8 =	sadd.s32 $0xFFFFE003, lr  }
0x1b: {  	s9 =	sadd.s32 $0xFFFFFEF7, lr;
	s5 =	simm.s32 $0xFFFFFFFF;
	p2 =	slt.u32 s8, $0xFFFFF086  }
0x1c: {  	p1 =	slt.u32 s9, $0xF7A;
	s5 =	simm.s32 @!p2 $0x0  }
0x1d: {  	s5 =	simm.s32 @p1 $0x1;
	p0 =	seq.s32 s7, s2  }
0x1e: {  	s7 =	smul.u32 @!p0 $0xF7A, s2;
	p2 =	seq.s32 @!p0 s5, $0x0  }
0x1f: {  	s9 =	smul.u32 $0xF7A, s1;
	s8 =	simm.s32 @!p0 $0x1BF5;
	p2 =	por !p2, p0  }
0x20: {  	[sflag:s8] =	ssyncset.s32 @!p0 $0xFFFFF086;
	s6 =	sadd.s32 @!p0 s3, s7;
	s7 =	simm.s32 @!p0 $0x108  }
0x21: {  	s3 =	sadd.s32 s3, s9;
	s6 =	sadd.s32 @!p0 $0x88, s6;
	s7 =	simm.s32 @p2 $0x1082  }
0x22: {  	[simem:s7], [sflag:s8] =	dma.local @!p0 [hbm:s6], $0xF7A  }
0x23: {  	s9 =	sor.u32 $0xD0000000, s2;
	s6 =	simm.s32 $0x108;
	_ =	swait.ge @!p0 [sflag:s8], $0x0  }
0x24: {  	s3 =	sadd.s32 $0x88, s3;
	s6 =	simm.s32 @!p1 $0x1082;
	[sflag:s4] =	ssyncset.s32 $0xFFFFF086  }
0x25: {  	[simem:s6], [sflag:s4] =	dma.local [hbm:s3], $0xF7A  }
0x26: {  	[smem:$0x3F98] =	sst s1;
	(tag) =	ssettag s2;
	_ =	strace s9  }
0x27: {  	s1 =	sld [smem:$0x3FA8]  }
0x28: {  	s2 =	sld [smem:$0x3FA9]  }
0x29: {  	s4 =	sld [smem:$0x3FAB]  }
0x2a: {  	p0 =	seq.s32 s5, $0x0;
	s5 =	sld [smem:$0x3FAC]  }
0x2b: {  	s6 =	sld [smem:$0x3FAD]  }
0x2c: {  	s7 =	sld [smem:$0x3FAE]  }
0x2d: {  	s3 =	simm.s32 $0x108;
	s8 =	sld [smem:$0x3FAF]  }
0x2e: {  	s3 =	simm.s32 @!p0 $0x1082;
	s9 =	sld [smem:$0x3FB0]  }
0x2f: {  	lr =	sadd.s32 s0, s3;
	s0 =	sld [smem:$0x3FA7]  }
0x30: {  	s3 =	sld [smem:$0x3FAA]  }
0x31: {  	[smem:$0x3FB3] =	sst s10  }
0x32: {  	s10 =	sld [smem:$0x3FB1];
	_ =	sdelay $0x3  }
0x33: {  	p0 =	seq.s32 s10, $0x1;
	s10 =	sld [smem:$0x3FB3];
	_ =	sdelay $0x3  }
0x34: {  	[smem:$0x3FB3] =	sst s10  }
0x35: {  	s10 =	sld [smem:$0x3FB2];
	_ =	sdelay $0x3  }
0x36: {  	p1 =	seq.s32 s10, $0x1;
	s10 =	sld [smem:$0x3FB3];
	_ =	sdelay $0x3  }
0x37: {  	[smem:$0x3FB3] =	sst s10  }
0x38: {  	s10 =	sld [smem:$0x3FB4]  }
0x39: {  	_ = 	snop;
	(pc) =	sbr.ind lr, $3  }
0x3a: {  	_ = 	snop  }
0x3b: {  	_ = 	snop  }
0x3c: {  	p2 =	seq.s32 s10, $0x1;
	s10 =	sld [smem:$0x3FB3]  }
0x3d: {  	_ =	shalt  }
0x3e: {  	_ =	shalt  }
0x3f: {  	_ =	shalt  }
0x40: {  	_ =	shalt  }
0x41: {  	_ =	shalt  }
0x42: {  	_ =	shalt  }
0x43: {  	_ =	shalt  }
0x44: {  	_ =	shalt  }
0x45: {  	_ =	shalt  }
0x46: {  	_ =	shalt  }
0x47: {  	_ =	shalt  }
0x48: {  	_ =	shalt  }
0x49: {  	_ =	shalt  }
0x4a: {  	_ =	shalt  }
0x4b: {  	_ =	shalt  }
0x4c: {  	_ =	shalt  }
0x4d: {  	_ =	shalt  }
0x4e: {  	_ =	shalt  }
0x4f: {  	_ =	shalt  }
0x50: {  	_ =	shalt  }
0x51: {  	_ =	shalt  }
0x52: {  	_ =	shalt  }
0x53: {  	_ =	shalt  }
0x54: {  	_ =	shalt  }
0x55: {  	_ =	shalt  }
0x56: {  	_ =	shalt  }
0x57: {  	_ =	shalt  }
0x58: {  	_ =	shalt  }
0x59: {  	_ =	shalt  }
0x5a: {  	_ =	shalt  }
0x5b: {  	_ =	shalt  }
0x5c: {  	_ =	shalt  }
0x5d: {  	_ =	shalt  }
0x5e: {  	_ =	shalt  }
0x5f: {  	_ =	shalt  }
0x60: {  	_ =	shalt  }
0x61: {  	_ =	shalt  }
0x62: {  	_ =	shalt  }
0x63: {  	_ =	shalt  }
0x64: {  	_ =	shalt  }
0x65: {  	_ =	shalt  }
0x66: {  	_ =	shalt  }
0x67: {  	_ =	shalt  }
0x68: {  	_ =	shalt  }
0x69: {  	_ =	shalt  }
0x6a: {  	_ =	shalt  }
0x6b: {  	_ =	shalt  }
0x6c: {  	_ =	shalt  }
0x6d: {  	_ =	shalt  }
0x6e: {  	_ =	shalt  }
0x6f: {  	_ =	shalt  }
0x70: {  	_ =	shalt  }
0x71: {  	_ =	shalt  }
0x72: {  	_ =	shalt  }
0x73: {  	_ =	shalt  }
0x74: {  	_ =	shalt  }
0x75: {  	_ =	shalt  }
0x76: {  	_ =	shalt  }
0x77: {  	_ =	shalt  }
0x78: {  	_ =	shalt  }
0x79: {  	_ =	shalt  }
0x7a: {  	_ =	shalt  }
0x7b: {  	_ =	shalt  }
0x7c: {  	_ =	shalt  }
0x7d: {  	_ =	shalt  }
0x7e: {  	_ =	shalt  }
0x7f: {  	_ =	shalt  }
0x80: {  	_ =	shalt  }
0x81: {  	_ =	shalt  }
0x82: {  	_ =	shalt  }
0x83: {  	_ =	shalt  }
0x84: {  	_ =	shalt  }
0x85: {  	_ =	shalt  }
0x86: {  	_ =	shalt  }
0x87: {  	_ =	shalt  }
.Lfunc_end0:
.L_simem_size_0:
called_computation_lowered:
.L_overlay_start_0:
0x88: {  	s2 =	sld [smem:$0x3FD9]  }
0x89: {  	s3 =	sld [smem:$0x3FFE];
	_ =	sdelay $0x1  }
0x8a: {  	s1 =	srdreg.scid  }
0x8b: {  	s0 =	sand.u32 $0x1, s1  }
0x8c: {  	s17 =	sshll.u32 s0, $0xA;
	s2 =	sadd.s32 s3, s2  }
0x8d: {  	s2 =	sadd.s32 s2, s17  }
0x8e: {  	[smem:$0x3FBF] =	sst s2  }
0x8f: {  	_ = 	snop  }
0x90: {  	s2 =	sld [smem:$0x3FD0];
	(tm) =	ssettm $0x1  }
0x91: {  	s18 =	sld [smem:$0x3FFB];
	_ =	sdelay $0x3  }
0x92: {  	_ =	strace s18  }
0x93: {  	s3 =	sld [smem:$0x3FFC];
	_ =	sdelay $0x3  }
0x94: {  	_ =	strace s3  }
0x95: {  	s3 =	sld [smem:$0x3FFD];
	_ =	sdelay $0x3  }
0x96: {  	_ =	strace s3  }
0x97: {  	_ =	strace $0x8FFFFFFF  }
0x98: {  	s19 =	sld [smem:$0x3FDB];
	_ =	sdelay $0x1  }
0x99: {  	s4 =	simm.s32 $_scs_section_size  }
0x9a: {  	s5 =	simm.s32 $_size__tile_overlayer_lowered;
	s6 =	simm.s32 $_tile_overlayer_lowered  }
0x9b: {  	s22 =	simm.s32 $0x1BFF;
	s21 =	sshll.u32 s6, $0x1;
	s3 =	sadd.s32 s4, s19  }
0x9c: {  	s7 =	simm.s32 $0x0;
	s20 =	sshll.u32 s5, $0x1;
	s5 =	sadd.s32 s21, s3  }
0x9d: {  	[timem:s7], [sflag:s22] =	dma.local [hbm:s5], s20  }
0x9e: {  	_ =	swait.ge [sflag:s22], s20  }
0x9f: {  	s4 =	ssub.s32 $0x0, s20;
	[sflag:s22] =	ssyncset.done $0x0  }
0xa0: {  	[sflag:s22] =	ssyncadd.s32 s4;
	_ =	sdelay $0x1  }
0xa1: {  	s23 =	simm.s32 $0x1B8B  }
0xa2: {  	_ =	swait.ge [sflag:s23], $0x1  }
0xa3: {  	[sflag:s23] =	ssyncset.done $0x0  }
0xa4: {  	s25 =	simm.s32 $0x1B8E;
	s24 =	sld [smem:$0x3FFE];
	[sflag:s23] =	ssyncadd.s32 $0xFFFFFFFF  }
0xa5: {  	s26 =	simm.s32 $execute0_lowered;
	[smem:$0x3FD2] =	sst s25  }
0xa6: {  	s5 =	sshll.u32 s26, $0x1;
	_ =	strace $0x80000046;
	[dreg:$0x1] =	wrdreg $0xFFFFFFFF  }
0xa7: {  	s28 =	simm.s32 $_size_execute0_lowered;
	s3 =	sadd.s32 s3, s5;
	[dreg:$0x0] =	wrdreg $0x0  }
0xa8: {  	s5 =	sshll.u32 s28, $0x1;
	[dreg:$0x2] =	wrdreg s3  }
0xa9: {  	[dreg:$0x3] =	wrdreg s5  }
0xaa: {  	[dreg:$0x4] =	wrdreg $0xC0  }
0xab: {  	_ =	task [dreg:s7], $0x5FFFF  }
0xac: {  	[dreg:$0x1] =	wrdreg $0xFFFFFFFF  }
0xad: {  	[dreg:$0x0] =	wrdreg $0x60  }
0xae: {  	[dreg:$0x2] =	wrdreg s2  }
0xaf: {  	[dreg:$0x3] =	wrdreg s24  }
0xb0: {  	[dreg:$0x4] =	wrdreg $0x9  }
0xb1: {  	_ =	task.clear_ibuf [dreg:s7], $0x5FFFF;
	_ =	strace $0x90000046  }
0xb2: {  	s29 =	simm.s32 $0x9;
	_ =	strace $0x80000048  }
0xb3: {  	_ =	swait.ge [sflag:s29], $0x1  }
0xb4: {  	[sflag:s29] =	ssyncadd.s32 $0xFFFFFFFF  }
0xb5: {  	_ =	strace $0x90000048  }
0xb6: {  	_ =	sfence  }
0xb7: {  	s30 =	sld [smem:$0x0];
	_ =	sdelay $0x2  }
0xb8: {  	s31 =	sshll.u32 s1, $0xD;
	s1 =	sshrl.u32 s1, $0x2  }
0xb9: {  	s3 =	sand.u32 $0x4000, s31;
	s1 =	sadd.s32 s1, s30  }
0xba: {  	s0 =	sor.u32 s3, s0;
	s1 =	sshll.u32 s1, $0x11  }
0xbb: {  	s0 =	sor.u32 s1, s0  }
0xbc: {  	s0 =	sadd.s32 $0x8F2B, s0  }
0xbd: {  	[sflag:s0] =	ssyncadd.remote.s32 $0x1  }
0xbe: {  	_ =	sfence.sel $0xFFFF  }
0xbf: {  	[dreg:$0x0] =	wrdreg $0xFFFFFFFF;
	(pc) =	sbr.abs _section_cstart, $3  }
0xc0: {  	[dreg:$0x1] =	wrdreg $0xFFFFFFFF  }
0xc1: {  	_ =	task.clear_ibuf [dreg:s7], $0x2FFFF;
	_ =	strace $0x9FFFFFFF  }
0xc2: {  	(tm) =	ssettm $0x7FFFFFFF  }
0xc3: {  	_ =	shalt  }
tec
execute0_lowered:
.L_overlay_start_1:
0x0: {  	(tag) =	ssettag $0x1  }
0x1: {  	s1 =	stileid.u32  }
0x2: {  	p0 =	sgt.u32 s1, $0x1  }
.Ltmp0:
0x3: {  	_ = 	snop;
	(pc) =	sbr.rel @p0 .LBB2_9-.Ltmp0, $4  }
0x4: {  	s4 =	rddreg [dreg:$0x0]  }
0x5: {  	s3 =	rddreg [dreg:$0x1];
	s2 =	simm.s32 $0x0  }
0x6: {  	[smem:$0x7FF] =	sst s2  }
0x7: {  	s0 =	rddreg [dreg:$0x2];
	_ =	strace $0x80000047  }
0x8: {  	s5 =	srdreg.scid  }
0x9: {  	s6 =	sshll.u32 s1, $0x1;
	s5 =	sand.u32 $0x1, s5  }
0xa: {  	s8 =	simm.s32 $0x1;
	s9 =	simm.s32 $0x880;
	s6 =	sor.u32 s5, s6  }
0xb: {  	s10 =	simm.s32 $0x0;
	s5 =	ssub.s32 $0x2, s5;
	s7 =	sshll.u32 s6, $0x5  }
0xc: {  	s31 =	sshrl.u32 s5, $0x1;
	s6 =	sshll.u32 s6, $0x4;
	s3 =	sadd.s32 s7, s3  }
0xd: {  	s5 =	ssub.s32 s5, s31;
	s4 =	sadd.s32 s4, s6;
	s6 =	simm.s32 $0x80  }
0xe: {  	v0 =	vimm.s32 $0x0;
	s7 =	simm.s32 $0x200;
	s3 =	sadd.s32 $0x1C00, s3;
	s5 =	smax.u32 s5, $0x1  }
.LBB2_2:
0xf: {  	s11 =	simm.s32 $0x0  }
0x10: {  	[tilespmem:s11], [sflag:$0x1] =	stream.strided.gather [hbm4b:s4+s6], $0x800, s7, s6, $0x38;
	[tilespmem:$0x980] =	vst v63  }
0x11: {  	_ =	swait.ge [sflag:s8], $0x800  }
0x12: {  	[sflag:s8] =	ssyncset.done $0x0  }
0x13: {  	v2 =	vimm.s32 $0x3F800001;
	v1 =	vimm.s32 $0x0;
	[sflag:s8] =	ssyncadd.s32 $0xFFFFF800  }
.LBB2_3:
0x14: {  	s13 =	simm.s32 $0x0  }
0x15: {  	v3 =	vadd.s32 v1, v2;
	v5 =	vld [tilespmem:s13+$0x0]  }
0x16: {  	v4 =	vimm.s32 $0x0;
	s12 =	simm.s32 $0x40;
	v3 =	vshra.s32 v3, $0x1  }
.LBB2_4:
0x17: {  	p0 =	sne.s32 s12, $0x1FC0  }
.Ltmp1:
0x18: {  	_ = 	snop;
	(pc) =	sbr.rel @p0 .LBB2_4-.Ltmp1, $4  }
0x19: {  	_ = 	snop  }
0x1a: {  	s13 =	sshra.s32 s12, $0x2;
	s12 =	sadd.s32 $0x40, s12;
	vm0 =	vge.s32 v5, v3  }
0x1b: {  	v5 =	vld [tilespmem:s13+$0x0];
	v6 =	vsel vm0, $0x1, v0  }
0x1c: {  	v4 =	vadd.s32 v6, v4  }
0x1d: {  	_ =	sdelay $0x2  }
0x1e: {  	vm0 =	vge.s32 v5, v3  }
0x1f: {  	v5 =	vsel vm0, $0x1, v0  }
0x20: {  	v4 =	vadd.s32 v5, v4  }
0x21: {  	[tilespmem:$0x800] =	vst v4  }
0x22: {  	[tilespmem:$0x810] =	vst v4  }
0x23: {  	v60 =	vld [tilespmem:$0x808];
	_ =	sdelay $0x4  }
0x24: {  	v4 =	vadd.s32 v4, v60  }
0x25: {  	[tilespmem:$0x800] =	vst v4  }
0x26: {  	[tilespmem:$0x810] =	vst v4  }
0x27: {  	v61 =	vld [tilespmem:$0x804];
	_ =	sdelay $0x4  }
0x28: {  	v4 =	vadd.s32 v4, v61  }
0x29: {  	[tilespmem:$0x800] =	vst v4  }
0x2a: {  	[tilespmem:$0x810] =	vst v4  }
0x2b: {  	v62 =	vld [tilespmem:$0x802];
	_ =	sdelay $0x4  }
0x2c: {  	v4 =	vadd.s32 v4, v62  }
0x2d: {  	[tilespmem:$0x800] =	vst v4  }
0x2e: {  	[tilespmem:$0x810] =	vst v4  }
0x2f: {  	v63 =	vld [tilespmem:$0x801]  }
0x30: {  	s11 =	sadd.s32 $0x1, s11  }
0x31: {  	p0 =	sne.s32 s11, $0x1F  }
.Ltmp2:
0x32: {  	_ = 	snop;
	(pc) =	sbr.rel @p0 .LBB2_3-.Ltmp2, $4  }
0x33: {  	_ = 	snop  }
0x34: {  	v4 =	vadd.s32 v4, v63  }
0x35: {  	[tilespmem:$0x800] =	vst v4;
	vm15 =	vgt.s32 v4, $0xCB  }
0x36: {  	[tilespmem:$0x810] =	vst v4;
	v1 =	vsel vm15, v3, v1;
	v2 =	vsel vm15, v2, v3  }
0x37: {  	s12 =	simm.s32 $0x0  }
0x38: {  	v3 =	vld [tilespmem:s12+$0x0]  }
0x39: {  	v2 =	vimm.s32 $0x0;
	s11 =	simm.s32 $0x40  }
.LBB2_7:
0x3a: {  	p0 =	sne.s32 s11, $0x1FC0  }
.Ltmp3:
0x3b: {  	_ = 	snop;
	(pc) =	sbr.rel @p0 .LBB2_7-.Ltmp3, $4  }
0x3c: {  	_ = 	snop  }
0x3d: {  	s12 =	sshra.s32 s11, $0x2;
	s11 =	sadd.s32 $0x40, s11;
	vm0 =	vgt.s32 v3, v1  }
0x3e: {  	v3 =	vld [tilespmem:s12+$0x0];
	v4 =	vsel vm0, $0x1, v0  }
0x3f: {  	v2 =	vadd.s32 v4, v2  }
0x40: {  	_ =	sdelay $0x2  }
0x41: {  	vm0 =	vgt.s32 v3, v1  }
0x42: {  	v3 =	vsel vm0, $0x1, v0  }
0x43: {  	v2 =	vadd.s32 v3, v2  }
0x44: {  	[tilespmem:$0x800] =	vst v2  }
0x45: {  	[tilespmem:$0x810] =	vst v2  }
0x46: {  	v3 =	vld [tilespmem:$0x808];
	_ =	sdelay $0x4  }
0x47: {  	v2 =	vadd.s32 v2, v3  }
0x48: {  	[tilespmem:$0x800] =	vst v2  }
0x49: {  	[tilespmem:$0x810] =	vst v2  }
0x4a: {  	v3 =	vld [tilespmem:$0x804];
	_ =	sdelay $0x4  }
0x4b: {  	v2 =	vadd.s32 v2, v3  }
0x4c: {  	[tilespmem:$0x800] =	vst v2  }
0x4d: {  	[tilespmem:$0x810] =	vst v2  }
0x4e: {  	v3 =	vld [tilespmem:$0x802];
	_ =	sdelay $0x4  }
0x4f: {  	v2 =	vadd.s32 v2, v3  }
0x50: {  	[tilespmem:$0x800] =	vst v2  }
0x51: {  	[tilespmem:$0x810] =	vst v2  }
0x52: {  	v3 =	vld [tilespmem:$0x801];
	_ =	sdelay $0x4  }
0x53: {  	[tilespmem:$0x880] =	vst v1;
	v2 =	vadd.s32 v2, v3  }
0x54: {  	s10 =	sadd.s32 $0x1, s10;
	[tilespmem:$0x800] =	vst v2  }
0x55: {  	p0 =	sne.s32 s10, s5;
	[tilespmem:$0x810] =	vst v2;
	v1 =	vsub.s32 $0xCC, v2  }
.Ltmp4:
0x56: {  	[tilespmem:$0x900] =	vst v1;
	(pc) =	sbr.rel @p0 .LBB2_2-.Ltmp4, $4  }
0x57: {  	[hbm4b:s3+s2] =	stream.linear.scatter [tilespmem:s9], [sflag:$0x1], $0x100, $0x38;
	[tilespmem:$0x980] =	vst v63  }
0x58: {  	_ =	swait.ge [sflag:s8], $0x100  }
0x59: {  	[sflag:s8] =	ssyncset.done $0x0  }
0x5a: {  	[sflag:s8] =	ssyncadd.s32 $0xFFFFFF00  }
.LBB2_9:
0x5b: {  	_ =	sfence.sel $0x180000  }
0x5c: {  	[bflag:$0x0] =	sbarrier.arrive $0xFFFF  }
0x5d: {  	p0 =	sne.s32 s1, $0x0;
	_ =	strace $0x90000047  }
0x5e: {  	s0 =	sadd.s32 @!p0 $0x100000, s0;
	[bflag:$0x2] =	sbarrier.arrive $0xFFFF  }
0x5f: {  	[sflag:s0] =	ssyncadd.tile.s32 @!p0 $0x1;
	_ =	shalt  }
.Lfunc_end2:
_tile_overlayer_lowered:
.L_overlay_start_2:
0x60: {  	(tag) =	ssettag $0x2  }
0x61: {  	s0 =	rddreg [dreg:$0x0];
	s2 =	stileid.u32  }
0x62: {  	s1 =	rddreg [dreg:$0x1];
	p0 =	sne.s32 s2, $0x0  }
0x63: {  	s3 =	rddreg [dreg:$0x2];
	[bflag:$0x3] =	sbarrier.arrive $0xFFFF;
	s2 =	simm.s32 @!p0 $0x1C01  }
0x64: {  	[timem:s3], [sflag:s2] =	dma.local @!p0 [hbm:s0], s1  }
0x65: {  	s0 =	simm.s32 @!p0 $0x1  }
0x66: {  	_ =	swait.ge @!p0 [sflag:s0], s1  }
0x67: {  	s1 =	ssub.s32 @!p0 $0x0, s1;
	[sflag:s0] =	ssyncset.done @!p0 $0x0  }
0x68: {  	[sflag:s0] =	ssyncadd.s32 @!p0 s1  }
0x69: {  	[bflag:$0x3] =	sbarrier.arrive $0xFFFF  }
0x6a: {  	_ =	shalt  }

</sc_bundles>
